<compile_context>
chip_gen: v7x
topology: tpu7x:2x2x1
jax: 0.10.2.dev20260603
libtpu: 0.0.44.dev20260713+nightly
codegen_flags: <defaults>
</compile_context>

<pallas_src>
import functools

import jax
import jax.numpy as jnp
from jax import lax
from jax.experimental import pallas as pl
from jax.experimental.pallas import tpu as pltpu
from jax.experimental.pallas import tpu_sc as plsc

_B, _N, _M, _HA, _HB = 8, 1024, 16, 128, 16
_C = 2 * _HA
_ROWS = _B * _N * _M
_NODES = _B * _N
_TN = 512
_TR = _TN * _M
_INV_NH = 1.0 / _ROWS
_INV_NO = 1.0 / _NODES
_EPS = 1e-5



def _proj_body(x_ref, wf_ref, wc_ref, o_ref):
    yf = jnp.dot(x_ref[...], wf_ref[...], preferred_element_type=jnp.float32)
    yc = jnp.dot(x_ref[...], wc_ref[...], preferred_element_type=jnp.float32)
    uf = lax.bitcast_convert_type(yf.astype(jnp.bfloat16), jnp.uint16).astype(jnp.int32)
    uc = lax.bitcast_convert_type(yc.astype(jnp.bfloat16), jnp.uint16).astype(jnp.int32)
    o_ref[...] = uf | (uc << 16)


def _tc_proj(x, WnTf, WnTc):
    T = 1024
    return pl.pallas_call(
        _proj_body,
        grid=(_NODES // T,),
        in_specs=[pl.BlockSpec((T, _HA), lambda i: (i, 0)),
                  pl.BlockSpec((_HA, _HA), lambda i: (0, 0)),
                  pl.BlockSpec((_HA, _HA), lambda i: (0, 0))],
        out_specs=pl.BlockSpec((T, _HA), lambda i: (i, 0)),
        out_shape=jax.ShapeDtypeStruct((_NODES, _HA), jnp.int32),
    )(x, WnTf, WnTc)


def _z_tile(g_ref, x_ref, nbr_ref, wst_ref, wet_ref, bfc_ref):
    S = jnp.dot(x_ref[...], wst_ref[...], preferred_element_type=jnp.float32) + bfc_ref[...]
    E = jnp.dot(nbr_ref[...], wet_ref[...], preferred_element_type=jnp.float32)
    g32 = g_ref[...]
    gf = lax.bitcast_convert_type(g32 << 16, jnp.float32).reshape(_TN, _M, _HA)
    gc = lax.bitcast_convert_type(g32 & jnp.int32(-65536), jnp.float32).reshape(_TN, _M, _HA)
    zf = gf + E[:, :_HA].reshape(_TN, _M, _HA) + S[:, :_HA][:, None, :]
    zc = gc + E[:, _HA:].reshape(_TN, _M, _HA) + S[:, _HA:][:, None, :]
    return zf.reshape(_TR, _HA), zc.reshape(_TR, _HA)


def _stats_body(g_ref, x_ref, nbr_ref, wst_ref, wet_ref, bfc_ref, acc_ref):
    i = pl.program_id(0)
    zf, zc = _z_tile(g_ref, x_ref, nbr_ref, wst_ref, wet_ref, bfc_ref)
    part = jnp.stack([jnp.concatenate([zf.sum(0), zc.sum(0)]),
                      jnp.concatenate([(zf * zf).sum(0), (zc * zc).sum(0)])])

    @pl.when(i == 0)
    def _():
        acc_ref[...] = jnp.zeros_like(acc_ref)

    acc_ref[...] += part


def _tc_stats(G, x, nbr4, WsT, WeT, bfc):
    return pl.pallas_call(
        _stats_body,
        grid=(G.shape[0] // _TR,),
        in_specs=[pl.BlockSpec((_TR, _HA), lambda i: (i, 0)),
                  pl.BlockSpec((_TN, _HA), lambda i: (i, 0)),
                  pl.BlockSpec((_TR, _HB), lambda i: (i, 0)),
                  pl.BlockSpec((_HA, _C), lambda i: (0, 0)),
                  pl.BlockSpec((_HB, _C), lambda i: (0, 0)),
                  pl.BlockSpec((1, _C), lambda i: (0, 0))],
        out_specs=pl.BlockSpec((2, _C), lambda i: (0, 0)),
        out_shape=jax.ShapeDtypeStruct((2, _C), jnp.float32),
    )(G, x, nbr4, WsT, WeT, bfc)


def _apply_body(g_ref, x_ref, nbr_ref, wst_ref, wet_ref, bfc_ref, st_ref,
                gam_ref, bet_ref, s_ref, acc_ref):
    i = pl.program_id(0)
    zf, zc = _z_tile(g_ref, x_ref, nbr_ref, wst_ref, wet_ref, bfc_ref)
    mean = st_ref[0, :] * _INV_NH
    var = st_ref[1, :] * _INV_NH - mean * mean
    scale = gam_ref[0, :] * lax.rsqrt(var + _EPS)
    shift = bet_ref[0, :] - mean * scale
    f = jax.nn.sigmoid(zf * scale[:_HA] + shift[:_HA])
    c = jnp.maximum(zc * scale[_HA:] + shift[_HA:], 0.0)
    fc = f * c
    s = fc.reshape(_TN, _M, _HA).sum(axis=1)
    s_ref[...] = s
    part = jnp.stack([s.sum(0), (s * s).sum(0)])

    @pl.when(i == 0)
    def _():
        acc_ref[...] = jnp.zeros_like(acc_ref)

    acc_ref[...] += part


def _tc_apply(G, x, nbr4, WsT, WeT, bfc, stats_h, gam, bet):
    return pl.pallas_call(
        _apply_body,
        grid=(G.shape[0] // _TR,),
        in_specs=[pl.BlockSpec((_TR, _HA), lambda i: (i, 0)),
                  pl.BlockSpec((_TN, _HA), lambda i: (i, 0)),
                  pl.BlockSpec((_TR, _HB), lambda i: (i, 0)),
                  pl.BlockSpec((_HA, _C), lambda i: (0, 0)),
                  pl.BlockSpec((_HB, _C), lambda i: (0, 0)),
                  pl.BlockSpec((1, _C), lambda i: (0, 0)),
                  pl.BlockSpec((2, _C), lambda i: (0, 0)),
                  pl.BlockSpec((1, _C), lambda i: (0, 0)),
                  pl.BlockSpec((1, _C), lambda i: (0, 0))],
        out_specs=[pl.BlockSpec((_TN, _HA), lambda i: (i, 0)),
                   pl.BlockSpec((2, _HA), lambda i: (0, 0))],
        out_shape=[jax.ShapeDtypeStruct((G.shape[0] // _M, _HA), jnp.float32),
                   jax.ShapeDtypeStruct((2, _HA), jnp.float32)],
    )(G, x, nbr4, WsT, WeT, bfc, stats_h, gam, bet)


def _final_body(x_ref, s_ref, st_ref, gam_ref, bet_ref, o_ref):
    mean = st_ref[0, :] * _INV_NO
    var = st_ref[1, :] * _INV_NO - mean * mean
    scale = gam_ref[0, :] * lax.rsqrt(var + _EPS)
    shift = bet_ref[0, :] - mean * scale
    o_ref[...] = jnp.maximum(x_ref[...] + s_ref[...] * scale + shift, 0.0)


def _tc_final(x, s, stats_o, gam, bet):
    T = 1024
    return pl.pallas_call(
        _final_body,
        grid=(x.shape[0] // T,),
        in_specs=[pl.BlockSpec((T, _HA), lambda i: (i, 0)),
                  pl.BlockSpec((T, _HA), lambda i: (i, 0)),
                  pl.BlockSpec((2, _HA), lambda i: (0, 0)),
                  pl.BlockSpec((1, _HA), lambda i: (0, 0)),
                  pl.BlockSpec((1, _HA), lambda i: (0, 0))],
        out_specs=pl.BlockSpec((T, _HA), lambda i: (i, 0)),
        out_shape=jax.ShapeDtypeStruct((x.shape[0], _HA), jnp.float32),
    )(x, s, stats_o, gam, bet)



def _sc_gather(table, gidx2):
    rows = gidx2.shape[0] * 128
    info = plsc.get_sparse_core_info()
    nw = info.num_cores * info.num_subcores
    per_w = rows // nw
    ch = 128
    nch = per_w // ch
    gpc = 2
    nsc = nch // gpc
    mesh = plsc.VectorSubcoreMesh(core_axis_name="c", subcore_axis_name="s")

    @functools.partial(
        pl.kernel, mesh=mesh,
        out_type=jax.ShapeDtypeStruct((rows, _HA), jnp.int32),
        scratch_types=[
            pltpu.VMEM((nch, ch), jnp.int32),
            pltpu.VMEM((2, gpc * ch, _HA), jnp.int32),
            pltpu.SemaphoreType.DMA,
            pltpu.SemaphoreType.DMA,
        ],
    )
    def k(table_hbm, idx_hbm, out_hbm, idx_v, rows_v, sem0, sem1):
        wid = lax.axis_index("s") * info.num_cores + lax.axis_index("c")
        base = wid * per_w
        pltpu.sync_copy(idx_hbm.at[pl.ds(wid * nch, nch)], idx_v)
        sems = (sem0, sem1)

        def start(i, j):
            for g in range(gpc):
                pltpu.async_copy(table_hbm.at[idx_v.at[i * gpc + g]],
                                 rows_v.at[j, pl.ds(g * ch, ch)], sems[j])

        def drain(i, j):
            for g in range(gpc):
                pltpu.make_async_copy(table_hbm.at[idx_v.at[i * gpc + g]],
                                      rows_v.at[j, pl.ds(g * ch, ch)],
                                      sems[j]).wait()

        start(0, 0)

        def body(i, carry):
            for j in range(2):
                @pl.when(i % 2 == j)
                def _():
                    @pl.when(i + 1 < nsc)
                    def _():
                        start(i + 1, 1 - j)

                    drain(i, j)
                    pltpu.sync_copy(
                        rows_v.at[j],
                        out_hbm.at[pl.ds(base + i * gpc * ch, gpc * ch)])
            return carry

        lax.fori_loop(0, nsc, body, 0)

    return k(table, gidx2)



def kernel(atom_emb, nbr_emb, nbr_adj_list, W_fc, b_fc, gamma_h, beta_h,
           gamma_o, beta_o):
    B, N, HA = atom_emb.shape
    M = nbr_adj_list.shape[2]
    C = 2 * HA
    x = atom_emb.reshape(B * N, HA)
    WsT = W_fc[:, :HA].T
    WnT = W_fc[:, HA:2 * HA].T
    WeT = W_fc[:, 2 * HA:].T

    P32 = _tc_proj(x, WnT[:, :HA], WnT[:, HA:])
    gidx = (nbr_adj_list.astype(jnp.int32)
            + (jnp.arange(B, dtype=jnp.int32) * N)[:, None, None]).reshape(-1, 128)
    G = _sc_gather(P32, gidx)

    nbr2 = nbr_emb.reshape(B * N * M, -1)
    bfc = b_fc.reshape(1, C)
    stats_h = _tc_stats(G, x, nbr2, WsT, WeT, bfc)
    s, stats_o = _tc_apply(G, x, nbr2, WsT, WeT, bfc, stats_h,
                           gamma_h.reshape(1, C), beta_h.reshape(1, C))
    out = _tc_final(x, s, stats_o, gamma_o.reshape(1, HA), beta_o.reshape(1, HA))
    return out.reshape(B, N, HA)

# --- scband reference (transcript-rebuilt; emitter-appended) ---
"""Pipeline reference for scband-conv-layer-13907104104633 (READ-ONLY COPY).

The authoritative reference and input builder live on the scoring server;
editing this copy changes nothing except your own understanding.
"""

import jax, jax.numpy as jnp
import numpy as np

H_A = 128
H_B = 16
B, N, M = 8, 1024, 16

def setup_inputs(seed: int = 0) -> dict:
    key = jax.random.key(seed)
    ks = jax.random.split(key, 10)
    atom_emb = jax.random.normal(ks[0], (B, N, H_A), dtype=jnp.float32)
    nbr_emb = jax.random.normal(ks[1], (B, N, M, H_B), dtype=jnp.float32)
    nbr_adj_list = jax.random.randint(ks[2], (B, N, M), 0, N, dtype=jnp.int64)
    fan_in = 2 * H_A + H_B
    W_fc = jax.random.normal(ks[3], (2 * H_A, fan_in), dtype=jnp.float32) / np.sqrt(fan_in)
    b_fc = jnp.zeros((2 * H_A,), dtype=jnp.float32)
    gamma_h = jnp.ones((2 * H_A,), dtype=jnp.float32)
    beta_h = jnp.zeros((2 * H_A,), dtype=jnp.float32)
    gamma_o = jnp.ones((H_A,), dtype=jnp.float32)
    beta_o = jnp.zeros((H_A,), dtype=jnp.float32)
    return {"atom_emb": atom_emb, "nbr_emb": nbr_emb, "nbr_adj_list": nbr_adj_list,
            "W_fc": W_fc, "b_fc": b_fc, "gamma_h": gamma_h, "beta_h": beta_h,
            "gamma_o": gamma_o, "beta_o": beta_o}

def _batchnorm(x2d, gamma, beta, eps=1e-5):
    mean = jnp.mean(x2d, axis=0)
    var = jnp.var(x2d, axis=0)
    return (x2d - mean) / jnp.sqrt(var + eps) * gamma + beta

def reference(atom_emb, nbr_emb, nbr_adj_list, W_fc, b_fc, gamma_h, beta_h, gamma_o, beta_o):
    Bq, Nq, h_a = atom_emb.shape
    Mq = nbr_adj_list.shape[2]
    batch_idx = jnp.arange(Bq)[:, None]
    # gather neighbor atom embeddings: [B, N*M] index into [B, N, h_a]
    atom_nbr_emb = atom_emb[batch_idx, nbr_adj_list.reshape(Bq, -1)].reshape(Bq, Nq, Mq, h_a)
    total_nbr_emb = jnp.concatenate([
        jnp.broadcast_to(atom_emb[:, :, None, :], (Bq, Nq, Mq, h_a)),
        atom_nbr_emb,
        nbr_emb], axis=-1)
    total_gated_emb = total_nbr_emb @ W_fc.T + b_fc
    total_gated_emb = _batchnorm(total_gated_emb.reshape(-1, 2 * h_a), gamma_h, beta_h).reshape(Bq, Nq, Mq, 2 * h_a)
    nbr_filter, nbr_core = jnp.split(total_gated_emb, 2, axis=3)
    nbr_filter = jax.nn.sigmoid(nbr_filter)
    nbr_core = jax.nn.relu(nbr_core)
    nbr_sumed = jnp.sum(nbr_filter * nbr_core, axis=2)
    nbr_sumed = _batchnorm(nbr_sumed.reshape(-1, h_a), gamma_o, beta_o).reshape(Bq, Nq, h_a)
    out = jax.nn.relu(atom_emb + nbr_sumed)
    return out

if __name__ == "__main__":
    import jax
    _d = setup_inputs()
    print(jax.jit(kernel)(*tuple(_d.values())))

</pallas_src>

<mosaic_0001>
#map = affine_map<(d0, d1) -> (0, 0)>
module attributes {stable_mosaic.version = 14 : i64} {
  func.func @k(%arg0: i32, %arg1: i32, %arg2: memref<8192x128xi32, #tpu.memory_space<hbm>>, %arg3: memref<1024x128xi32, #tpu.memory_space<hbm>>, %arg4: memref<131072x128xi32, #tpu.memory_space<hbm>>, %arg5: memref<32x128xi32, #tpu.memory_space<vmem>>, %arg6: memref<2x256x128xi32, #tpu.memory_space<vmem>>, %arg7: memref<!tpu.dma_semaphore, #tpu.memory_space<semaphore_mem>>, %arg8: memref<!tpu.dma_semaphore, #tpu.memory_space<semaphore_mem>>) attributes {dimension_semantics = [#tpu.dimension_semantics<core_parallel>, #tpu.dimension_semantics<subcore_parallel>], iteration_bounds = array<i64: 2, 16>, scalar_prefetch = 0 : i64, scratch_operands = 4 : i64, tpu.core_type = #tpu.core_type<sc_vector_subcore>, window_params = [{transform_indices = #map}, {transform_indices = #map}, {transform_indices = #map}]} {
    %mul3A = arith.constant 2 : i32
    %mul3A_0 = arith.muli %arg1, %mul3A : i32
    %add3A = arith.addi %mul3A_0, %arg0 : i32
    %mul3A_1 = arith.constant 4096 : i32
    %mul3A_2 = arith.muli %add3A, %mul3A_1 : i32
    %mul3A_3 = arith.constant 32 : i32
    %mul3A_4 = arith.muli %add3A, %mul3A_3 : i32
    "tpu.region"() ({
      %run_scoped3A = tpu.sem_alloc : memref<!tpu.dma_semaphore, #tpu.memory_space<semaphore_mem>>
      %dma_start3A_33 = arith.constant 0 : i32
      %dma_start3A_34 = tpu.memref_slice %arg3[%mul3A_4, %dma_start3A_33] : memref<1024x128xi32, #tpu.memory_space<hbm>> -> memref<32x128xi32, #tpu.memory_space<hbm>>
      %dma_start3A_35 = arith.constant 0 : i32
      %dma_start3A_36 = tpu.memref_slice %arg3[%mul3A_4, %dma_start3A_35] : memref<1024x128xi32, #tpu.memory_space<hbm>> -> memref<32x128xi32, #tpu.memory_space<hbm>>
      tpu.enqueue_dma source(%dma_start3A_36 : memref<32x128xi32, #tpu.memory_space<hbm>>) target(%arg5 : memref<32x128xi32, #tpu.memory_space<vmem>>) target_semaphore(%run_scoped3A : memref<!tpu.dma_semaphore, #tpu.memory_space<semaphore_mem>>)
      %dma_wait3A = arith.constant 0 : i32
      %dma_wait3A_37 = tpu.memref_slice %arg3[%mul3A_4, %dma_wait3A] : memref<1024x128xi32, #tpu.memory_space<hbm>> -> memref<32x128xi32, #tpu.memory_space<hbm>>
      %dma_wait3A_38 = arith.constant 0 : i32
      %dma_wait3A_39 = tpu.memref_slice %arg3[%mul3A_4, %dma_wait3A_38] : memref<1024x128xi32, #tpu.memory_space<hbm>> -> memref<32x128xi32, #tpu.memory_space<hbm>>
      tpu.wait_dma2 semaphore(%run_scoped3A : memref<!tpu.dma_semaphore, #tpu.memory_space<semaphore_mem>>) src(%dma_wait3A_39 : memref<32x128xi32, #tpu.memory_space<hbm>>) dst(%arg5 : memref<32x128xi32, #tpu.memory_space<vmem>>)
      tpu.yield
    }) : () -> ()
    %dma_start3A = arith.constant 0 : i32
    %dma_start3A_5 = arith.constant 0 : i32
    %dma_start3A_6 = arith.constant 0 : i32
    %dma_start3A_7 = arith.constant 0 : i32
    %dma_start3A_8 = tpu.memref_slice %arg6[%dma_start3A_5, %dma_start3A_6, %dma_start3A_7] : memref<2x256x128xi32, #tpu.memory_space<vmem>> -> memref<1x128x128xi32, #tpu.memory_space<vmem>>
    %dma_start3A_9 = tpu.memref_squeeze %dma_start3A_8 : memref<1x128x128xi32, #tpu.memory_space<vmem>> -> memref<128x128xi32, #tpu.memory_space<vmem>>
    %dma_start3A_10 = arith.constant 0 : i32
    %dma_start3A_11 = tpu.memref_slice %arg5[%dma_start3A, %dma_start3A_10] : memref<32x128xi32, #tpu.memory_space<vmem>> -> memref<1x128xi32, #tpu.memory_space<vmem>>
    %dma_start3A_12 = tpu.memref_squeeze %dma_start3A_11 : memref<1x128xi32, #tpu.memory_space<vmem>> -> memref<128xi32, #tpu.memory_space<vmem>>
    %dma_start3A_13 = arith.constant 0 : i32
    %dma_start3A_14 = arith.constant 0 : i32
    %dma_start3A_15 = tpu.memref_slice %arg2[%dma_start3A_13, %dma_start3A_14] : memref<8192x128xi32, #tpu.memory_space<hbm>> -> memref<8192x128xi32, #tpu.memory_space<hbm>>
    tpu.enqueue_indirect_dma source(%dma_start3A_15 : memref<8192x128xi32, #tpu.memory_space<hbm>>) target(%dma_start3A_9 : memref<128x128xi32, #tpu.memory_space<vmem>>) offsets(%dma_start3A_12 : memref<128xi32, #tpu.memory_space<vmem>>) semaphore(%arg7 : memref<!tpu.dma_semaphore, #tpu.memory_space<semaphore_mem>>)
    %dma_start3A_16 = arith.constant 1 : i32
    %dma_start3A_17 = arith.constant 0 : i32
    %dma_start3A_18 = arith.constant 128 : i32
    %dma_start3A_19 = arith.constant 0 : i32
    %dma_start3A_20 = tpu.memref_slice %arg6[%dma_start3A_17, %dma_start3A_18, %dma_start3A_19] : memref<2x256x128xi32, #tpu.memory_space<vmem>> -> memref<1x128x128xi32, #tpu.memory_space<vmem>>
    %dma_start3A_21 = tpu.memref_squeeze %dma_start3A_20 : memref<1x128x128xi32, #tpu.memory_space<vmem>> -> memref<128x128xi32, #tpu.memory_space<vmem>>
    %dma_start3A_22 = arith.constant 0 : i32
    %dma_start3A_23 = tpu.memref_slice %arg5[%dma_start3A_16, %dma_start3A_22] : memref<32x128xi32, #tpu.memory_space<vmem>> -> memref<1x128xi32, #tpu.memory_space<vmem>>
    %dma_start3A_24 = tpu.memref_squeeze %dma_start3A_23 : memref<1x128xi32, #tpu.memory_space<vmem>> -> memref<128xi32, #tpu.memory_space<vmem>>
    %dma_start3A_25 = arith.constant 0 : i32
    %dma_start3A_26 = arith.constant 0 : i32
    %dma_start3A_27 = tpu.memref_slice %arg2[%dma_start3A_25, %dma_start3A_26] : memref<8192x128xi32, #tpu.memory_space<hbm>> -> memref<8192x128xi32, #tpu.memory_space<hbm>>
    tpu.enqueue_indirect_dma source(%dma_start3A_27 : memref<8192x128xi32, #tpu.memory_space<hbm>>) target(%dma_start3A_21 : memref<128x128xi32, #tpu.memory_space<vmem>>) offsets(%dma_start3A_24 : memref<128xi32, #tpu.memory_space<vmem>>) semaphore(%arg7 : memref<!tpu.dma_semaphore, #tpu.memory_space<semaphore_mem>>)
    %scan3A = arith.constant 0 : i32
    %scan3A_28 = arith.constant 0 : i32
    %scan3A_29 = arith.constant 16 : i32
    %scan3A_30 = arith.addi %scan3A_28, %scan3A_29 : i32
    %scan3A_31 = arith.constant 1 : i32
    scf.for %scan3A_33 = %scan3A_28 to %scan3A_30 step %scan3A_31  : i32 {
      %jit3A = arith.constant 2 : i32
      %eq3A = arith.constant 0 : i32
      %eq3A_34 = arith.cmpi eq, %jit3A, %eq3A : i32
      %jit3A_35 = arith.constant 1 : i32
      %select_n3A = arith.select %eq3A_34, %jit3A_35, %jit3A : i32
      %rem3A = arith.remsi %scan3A_33, %select_n3A : i32
      %ne3A = arith.constant 0 : i32
      %ne3A_36 = arith.cmpi ne, %rem3A, %ne3A : i32
      %lt3A = arith.constant 0 : i32
      %lt3A_37 = arith.cmpi slt, %rem3A, %lt3A : i32
      %lt3A_38 = arith.constant 0 : i32
      %lt3A_39 = arith.cmpi slt, %select_n3A, %lt3A_38 : i32
      %ne3A_40 = arith.xori %lt3A_37, %lt3A_39 : i1
      %and3A = arith.andi %ne3A_40, %ne3A_36 : i1
      %add3A_41 = arith.addi %rem3A, %select_n3A : i32
      %select_n3A_42 = arith.select %and3A, %add3A_41, %rem3A : i32
      %eq3A_43 = arith.constant 0 : i32
      %eq3A_44 = arith.cmpi eq, %select_n3A_42, %eq3A_43 : i32
      %convert_element_type3A = arith.extui %eq3A_44 : i1 to i32
      %cond3A = arith.constant 0 : i32
      %cond3A_45 = arith.cmpi ne, %convert_element_type3A, %cond3A : i32
      scf.if %cond3A_45 {
        %add3A_67 = arith.constant 1 : i32
        %add3A_68 = arith.addi %scan3A_33, %add3A_67 : i32
        %lt3A_69 = arith.constant 16 : i32
        %lt3A_70 = arith.cmpi slt, %add3A_68, %lt3A_69 : i32
        %convert_element_type3A_71 = arith.extui %lt3A_70 : i1 to i32
        %cond3A_72 = arith.constant 0 : i32
        %cond3A_73 = arith.cmpi ne, %convert_element_type3A_71, %cond3A_72 : i32
        scf.if %cond3A_73 {
          %add3A_108 = arith.constant 1 : i32
          %add3A_109 = arith.addi %scan3A_33, %add3A_108 : i32
          %mul3A_110 = arith.constant 2 : i32
          %mul3A_111 = arith.muli %add3A_109, %mul3A_110 : i32
          %add3A_112 = arith.constant 0 : i32
          %add3A_113 = arith.addi %mul3A_111, %add3A_112 : i32
          %dma_start3A_114 = arith.constant 1 : i32
          %dma_start3A_115 = arith.constant 0 : i32
          %dma_start3A_116 = arith.constant 0 : i32
          %dma_start3A_117 = tpu.memref_slice %arg6[%dma_start3A_114, %dma_start3A_115, %dma_start3A_116] : memref<2x256x128xi32, #tpu.memory_space<vmem>> -> memref<1x128x128xi32, #tpu.memory_space<vmem>>
          %dma_start3A_118 = tpu.memref_squeeze %dma_start3A_117 : memref<1x128x128xi32, #tpu.memory_space<vmem>> -> memref<128x128xi32, #tpu.memory_space<vmem>>
          %dma_start3A_119 = arith.constant 0 : i32
          %dma_start3A_120 = tpu.memref_slice %arg5[%add3A_113, %dma_start3A_119] : memref<32x128xi32, #tpu.memory_space<vmem>> -> memref<1x128xi32, #tpu.memory_space<vmem>>
          %dma_start3A_121 = tpu.memref_squeeze %dma_start3A_120 : memref<1x128xi32, #tpu.memory_space<vmem>> -> memref<128xi32, #tpu.memory_space<vmem>>
          %dma_start3A_122 = arith.constant 0 : i32
          %dma_start3A_123 = arith.constant 0 : i32
          %dma_start3A_124 = tpu.memref_slice %arg2[%dma_start3A_122, %dma_start3A_123] : memref<8192x128xi32, #tpu.memory_space<hbm>> -> memref<8192x128xi32, #tpu.memory_space<hbm>>
          tpu.enqueue_indirect_dma source(%dma_start3A_124 : memref<8192x128xi32, #tpu.memory_space<hbm>>) target(%dma_start3A_118 : memref<128x128xi32, #tpu.memory_space<vmem>>) offsets(%dma_start3A_121 : memref<128xi32, #tpu.memory_space<vmem>>) semaphore(%arg8 : memref<!tpu.dma_semaphore, #tpu.memory_space<semaphore_mem>>)
          %mul3A_125 = arith.constant 2 : i32
          %mul3A_126 = arith.muli %add3A_109, %mul3A_125 : i32
          %add3A_127 = arith.constant 1 : i32
          %add3A_128 = arith.addi %mul3A_126, %add3A_127 : i32
          %dma_start3A_129 = arith.constant 1 : i32
          %dma_start3A_130 = arith.constant 128 : i32
          %dma_start3A_131 = arith.constant 0 : i32
          %dma_start3A_132 = tpu.memref_slice %arg6[%dma_start3A_129, %dma_start3A_130, %dma_start3A_131] : memref<2x256x128xi32, #tpu.memory_space<vmem>> -> memref<1x128x128xi32, #tpu.memory_space<vmem>>
          %dma_start3A_133 = tpu.memref_squeeze %dma_start3A_132 : memref<1x128x128xi32, #tpu.memory_space<vmem>> -> memref<128x128xi32, #tpu.memory_space<vmem>>
          %dma_start3A_134 = arith.constant 0 : i32
          %dma_start3A_135 = tpu.memref_slice %arg5[%add3A_128, %dma_start3A_134] : memref<32x128xi32, #tpu.memory_space<vmem>> -> memref<1x128xi32, #tpu.memory_space<vmem>>
          %dma_start3A_136 = tpu.memref_squeeze %dma_start3A_135 : memref<1x128xi32, #tpu.memory_space<vmem>> -> memref<128xi32, #tpu.memory_space<vmem>>
          %dma_start3A_137 = arith.constant 0 : i32
          %dma_start3A_138 = arith.constant 0 : i32
          %dma_start3A_139 = tpu.memref_slice %arg2[%dma_start3A_137, %dma_start3A_138] : memref<8192x128xi32, #tpu.memory_space<hbm>> -> memref<8192x128xi32, #tpu.memory_space<hbm>>
          tpu.enqueue_indirect_dma source(%dma_start3A_139 : memref<8192x128xi32, #tpu.memory_space<hbm>>) target(%dma_start3A_133 : memref<128x128xi32, #tpu.memory_space<vmem>>) offsets(%dma_start3A_136 : memref<128xi32, #tpu.memory_space<vmem>>) semaphore(%arg8 : memref<!tpu.dma_semaphore, #tpu.memory_space<semaphore_mem>>)
        } else {
        }
        %mul3A_74 = arith.constant 2 : i32
        %mul3A_75 = arith.muli %scan3A_33, %mul3A_74 : i32
        %add3A_76 = arith.constant 0 : i32
        %add3A_77 = arith.addi %mul3A_75, %add3A_76 : i32
        %dma_wait3A = arith.constant 0 : i32
        %dma_wait3A_78 = arith.constant 0 : i32
        %dma_wait3A_79 = arith.constant 0 : i32
        %dma_wait3A_80 = tpu.memref_slice %arg6[%dma_wait3A, %dma_wait3A_78, %dma_wait3A_79] : memref<2x256x128xi32, #tpu.memory_space<vmem>> -> memref<1x128x128xi32, #tpu.memory_space<vmem>>
        %dma_wait3A_81 = tpu.memref_squeeze %dma_wait3A_80 : memref<1x128x128xi32, #tpu.memory_space<vmem>> -> memref<128x128xi32, #tpu.memory_space<vmem>>
        %dma_wait3A_82 = arith.constant 0 : i32
        %dma_wait3A_83 = tpu.memref_slice %arg5[%add3A_77, %dma_wait3A_82] : memref<32x128xi32, #tpu.memory_space<vmem>> -> memref<1x128xi32, #tpu.memory_space<vmem>>
        %dma_wait3A_84 = tpu.memref_squeeze %dma_wait3A_83 : memref<1x128xi32, #tpu.memory_space<vmem>> -> memref<128xi32, #tpu.memory_space<vmem>>
        %dma_wait3A_85 = arith.constant 0 : i32
        %dma_wait3A_86 = arith.constant 0 : i32
        %dma_wait3A_87 = tpu.memref_slice %arg2[%dma_wait3A_85, %dma_wait3A_86] : memref<8192x128xi32, #tpu.memory_space<hbm>> -> memref<8192x128xi32, #tpu.memory_space<hbm>>
        tpu.wait_indirect_dma semaphore(%arg7 : memref<!tpu.dma_semaphore, #tpu.memory_space<semaphore_mem>>) src(%dma_wait3A_87 : memref<8192x128xi32, #tpu.memory_space<hbm>>) dst(%dma_wait3A_81 : memref<128x128xi32, #tpu.memory_space<vmem>>)
        %mul3A_88 = arith.constant 2 : i32
        %mul3A_89 = arith.muli %scan3A_33, %mul3A_88 : i32
        %add3A_90 = arith.constant 1 : i32
        %add3A_91 = arith.addi %mul3A_89, %add3A_90 : i32
        %dma_wait3A_92 = arith.constant 0 : i32
        %dma_wait3A_93 = arith.constant 128 : i32
        %dma_wait3A_94 = arith.constant 0 : i32
        %dma_wait3A_95 = tpu.memref_slice %arg6[%dma_wait3A_92, %dma_wait3A_93, %dma_wait3A_94] : memref<2x256x128xi32, #tpu.memory_space<vmem>> -> memref<1x128x128xi32, #tpu.memory_space<vmem>>
        %dma_wait3A_96 = tpu.memref_squeeze %dma_wait3A_95 : memref<1x128x128xi32, #tpu.memory_space<vmem>> -> memref<128x128xi32, #tpu.memory_space<vmem>>
        %dma_wait3A_97 = arith.constant 0 : i32
        %dma_wait3A_98 = tpu.memref_slice %arg5[%add3A_91, %dma_wait3A_97] : memref<32x128xi32, #tpu.memory_space<vmem>> -> memref<1x128xi32, #tpu.memory_space<vmem>>
        %dma_wait3A_99 = tpu.memref_squeeze %dma_wait3A_98 : memref<1x128xi32, #tpu.memory_space<vmem>> -> memref<128xi32, #tpu.memory_space<vmem>>
        %dma_wait3A_100 = arith.constant 0 : i32
        %dma_wait3A_101 = arith.constant 0 : i32
        %dma_wait3A_102 = tpu.memref_slice %arg2[%dma_wait3A_100, %dma_wait3A_101] : memref<8192x128xi32, #tpu.memory_space<hbm>> -> memref<8192x128xi32, #tpu.memory_space<hbm>>
        tpu.wait_indirect_dma semaphore(%arg7 : memref<!tpu.dma_semaphore, #tpu.memory_space<semaphore_mem>>) src(%dma_wait3A_102 : memref<8192x128xi32, #tpu.memory_space<hbm>>) dst(%dma_wait3A_96 : memref<128x128xi32, #tpu.memory_space<vmem>>)
        %mul3A_103 = arith.constant 2 : i32
        %mul3A_104 = arith.muli %scan3A_33, %mul3A_103 : i32
        %mul3A_105 = arith.constant 128 : i32
        %mul3A_106 = arith.muli %mul3A_104, %mul3A_105 : i32
        %add3A_107 = arith.addi %mul3A_2, %mul3A_106 : i32
        %run_scoped3A = arith.constant 0 : i32
        "tpu.region"() ({
          %run_scoped3A_108 = tpu.sem_alloc : memref<!tpu.dma_semaphore, #tpu.memory_space<semaphore_mem>>
          %dma_start3A_109 = arith.constant 0 : i32
          %dma_start3A_110 = arith.constant 0 : i32
          %dma_start3A_111 = tpu.memref_slice %arg6[%run_scoped3A, %dma_start3A_109, %dma_start3A_110] : memref<2x256x128xi32, #tpu.memory_space<vmem>> -> memref<1x256x128xi32, #tpu.memory_space<vmem>>
          %dma_start3A_112 = tpu.memref_squeeze %dma_start3A_111 : memref<1x256x128xi32, #tpu.memory_space<vmem>> -> memref<256x128xi32, #tpu.memory_space<vmem>>
          %dma_start3A_113 = arith.constant 0 : i32
          %dma_start3A_114 = tpu.memref_slice %arg4[%add3A_107, %dma_start3A_113] : memref<131072x128xi32, #tpu.memory_space<hbm>> -> memref<256x128xi32, #tpu.memory_space<hbm>>
          %dma_start3A_115 = arith.constant 0 : i32
          %dma_start3A_116 = tpu.memref_slice %arg4[%add3A_107, %dma_start3A_115] : memref<131072x128xi32, #tpu.memory_space<hbm>> -> memref<256x128xi32, #tpu.memory_space<hbm>>
          %dma_start3A_117 = arith.constant 0 : i32
          %dma_start3A_118 = arith.constant 0 : i32
          %dma_start3A_119 = tpu.memref_slice %arg6[%run_scoped3A, %dma_start3A_117, %dma_start3A_118] : memref<2x256x128xi32, #tpu.memory_space<vmem>> -> memref<1x256x128xi32, #tpu.memory_space<vmem>>
          %dma_start3A_120 = tpu.memref_squeeze %dma_start3A_119 : memref<1x256x128xi32, #tpu.memory_space<vmem>> -> memref<256x128xi32, #tpu.memory_space<vmem>>
          tpu.enqueue_dma source(%dma_start3A_120 : memref<256x128xi32, #tpu.memory_space<vmem>>) target(%dma_start3A_116 : memref<256x128xi32, #tpu.memory_space<hbm>>) target_semaphore(%run_scoped3A_108 : memref<!tpu.dma_semaphore, #tpu.memory_space<semaphore_mem>>)
          %dma_wait3A_121 = arith.constant 0 : i32
          %dma_wait3A_122 = arith.constant 0 : i32
          %dma_wait3A_123 = tpu.memref_slice %arg6[%run_scoped3A, %dma_wait3A_121, %dma_wait3A_122] : memref<2x256x128xi32, #tpu.memory_space<vmem>> -> memref<1x256x128xi32, #tpu.memory_space<vmem>>
          %dma_wait3A_124 = tpu.memref_squeeze %dma_wait3A_123 : memref<1x256x128xi32, #tpu.memory_space<vmem>> -> memref<256x128xi32, #tpu.memory_space<vmem>>
          %dma_wait3A_125 = arith.constant 0 : i32
          %dma_wait3A_126 = tpu.memref_slice %arg4[%add3A_107, %dma_wait3A_125] : memref<131072x128xi32, #tpu.memory_space<hbm>> -> memref<256x128xi32, #tpu.memory_space<hbm>>
          %dma_wait3A_127 = arith.constant 0 : i32
          %dma_wait3A_128 = tpu.memref_slice %arg4[%add3A_107, %dma_wait3A_127] : memref<131072x128xi32, #tpu.memory_space<hbm>> -> memref<256x128xi32, #tpu.memory_space<hbm>>
          %dma_wait3A_129 = arith.constant 0 : i32
          %dma_wait3A_130 = arith.constant 0 : i32
          %dma_wait3A_131 = tpu.memref_slice %arg6[%run_scoped3A, %dma_wait3A_129, %dma_wait3A_130] : memref<2x256x128xi32, #tpu.memory_space<vmem>> -> memref<1x256x128xi32, #tpu.memory_space<vmem>>
          %dma_wait3A_132 = tpu.memref_squeeze %dma_wait3A_131 : memref<1x256x128xi32, #tpu.memory_space<vmem>> -> memref<256x128xi32, #tpu.memory_space<vmem>>
          tpu.wait_dma2 semaphore(%run_scoped3A_108 : memref<!tpu.dma_semaphore, #tpu.memory_space<semaphore_mem>>) src(%dma_wait3A_132 : memref<256x128xi32, #tpu.memory_space<vmem>>) dst(%dma_wait3A_128 : memref<256x128xi32, #tpu.memory_space<hbm>>)
          tpu.yield
        }) : () -> ()
      } else {
      }
      %jit3A_46 = arith.constant 2 : i32
      %eq3A_47 = arith.constant 0 : i32
      %eq3A_48 = arith.cmpi eq, %jit3A_46, %eq3A_47 : i32
      %jit3A_49 = arith.constant 1 : i32
      %select_n3A_50 = arith.select %eq3A_48, %jit3A_49, %jit3A_46 : i32
      %rem3A_51 = arith.remsi %scan3A_33, %select_n3A_50 : i32
      %ne3A_52 = arith.constant 0 : i32
      %ne3A_53 = arith.cmpi ne, %rem3A_51, %ne3A_52 : i32
      %lt3A_54 = arith.constant 0 : i32
      %lt3A_55 = arith.cmpi slt, %rem3A_51, %lt3A_54 : i32
      %lt3A_56 = arith.constant 0 : i32
      %lt3A_57 = arith.cmpi slt, %select_n3A_50, %lt3A_56 : i32
      %ne3A_58 = arith.xori %lt3A_55, %lt3A_57 : i1
      %and3A_59 = arith.andi %ne3A_58, %ne3A_53 : i1
      %add3A_60 = arith.addi %rem3A_51, %select_n3A_50 : i32
      %select_n3A_61 = arith.select %and3A_59, %add3A_60, %rem3A_51 : i32
      %eq3A_62 = arith.constant 1 : i32
      %eq3A_63 = arith.cmpi eq, %select_n3A_61, %eq3A_62 : i32
      %convert_element_type3A_64 = arith.extui %eq3A_63 : i1 to i32
      %cond3A_65 = arith.constant 0 : i32
      %cond3A_66 = arith.cmpi ne, %convert_element_type3A_64, %cond3A_65 : i32
      scf.if %cond3A_66 {
        %add3A_67 = arith.constant 1 : i32
        %add3A_68 = arith.addi %scan3A_33, %add3A_67 : i32
        %lt3A_69 = arith.constant 16 : i32
        %lt3A_70 = arith.cmpi slt, %add3A_68, %lt3A_69 : i32
        %convert_element_type3A_71 = arith.extui %lt3A_70 : i1 to i32
        %cond3A_72 = arith.constant 0 : i32
        %cond3A_73 = arith.cmpi ne, %convert_element_type3A_71, %cond3A_72 : i32
        scf.if %cond3A_73 {
          %add3A_108 = arith.constant 1 : i32
          %add3A_109 = arith.addi %scan3A_33, %add3A_108 : i32
          %mul3A_110 = arith.constant 2 : i32
          %mul3A_111 = arith.muli %add3A_109, %mul3A_110 : i32
          %add3A_112 = arith.constant 0 : i32
          %add3A_113 = arith.addi %mul3A_111, %add3A_112 : i32
          %dma_start3A_114 = arith.constant 0 : i32
          %dma_start3A_115 = arith.constant 0 : i32
          %dma_start3A_116 = arith.constant 0 : i32
          %dma_start3A_117 = tpu.memref_slice %arg6[%dma_start3A_114, %dma_start3A_115, %dma_start3A_116] : memref<2x256x128xi32, #tpu.memory_space<vmem>> -> memref<1x128x128xi32, #tpu.memory_space<vmem>>
          %dma_start3A_118 = tpu.memref_squeeze %dma_start3A_117 : memref<1x128x128xi32, #tpu.memory_space<vmem>> -> memref<128x128xi32, #tpu.memory_space<vmem>>
          %dma_start3A_119 = arith.constant 0 : i32
          %dma_start3A_120 = tpu.memref_slice %arg5[%add3A_113, %dma_start3A_119] : memref<32x128xi32, #tpu.memory_space<vmem>> -> memref<1x128xi32, #tpu.memory_space<vmem>>
          %dma_start3A_121 = tpu.memref_squeeze %dma_start3A_120 : memref<1x128xi32, #tpu.memory_space<vmem>> -> memref<128xi32, #tpu.memory_space<vmem>>
          %dma_start3A_122 = arith.constant 0 : i32
          %dma_start3A_123 = arith.constant 0 : i32
          %dma_start3A_124 = tpu.memref_slice %arg2[%dma_start3A_122, %dma_start3A_123] : memref<8192x128xi32, #tpu.memory_space<hbm>> -> memref<8192x128xi32, #tpu.memory_space<hbm>>
          tpu.enqueue_indirect_dma source(%dma_start3A_124 : memref<8192x128xi32, #tpu.memory_space<hbm>>) target(%dma_start3A_118 : memref<128x128xi32, #tpu.memory_space<vmem>>) offsets(%dma_start3A_121 : memref<128xi32, #tpu.memory_space<vmem>>) semaphore(%arg7 : memref<!tpu.dma_semaphore, #tpu.memory_space<semaphore_mem>>)
          %mul3A_125 = arith.constant 2 : i32
          %mul3A_126 = arith.muli %add3A_109, %mul3A_125 : i32
          %add3A_127 = arith.constant 1 : i32
          %add3A_128 = arith.addi %mul3A_126, %add3A_127 : i32
          %dma_start3A_129 = arith.constant 0 : i32
          %dma_start3A_130 = arith.constant 128 : i32
          %dma_start3A_131 = arith.constant 0 : i32
          %dma_start3A_132 = tpu.memref_slice %arg6[%dma_start3A_129, %dma_start3A_130, %dma_start3A_131] : memref<2x256x128xi32, #tpu.memory_space<vmem>> -> memref<1x128x128xi32, #tpu.memory_space<vmem>>
          %dma_start3A_133 = tpu.memref_squeeze %dma_start3A_132 : memref<1x128x128xi32, #tpu.memory_space<vmem>> -> memref<128x128xi32, #tpu.memory_space<vmem>>
          %dma_start3A_134 = arith.constant 0 : i32
          %dma_start3A_135 = tpu.memref_slice %arg5[%add3A_128, %dma_start3A_134] : memref<32x128xi32, #tpu.memory_space<vmem>> -> memref<1x128xi32, #tpu.memory_space<vmem>>
          %dma_start3A_136 = tpu.memref_squeeze %dma_start3A_135 : memref<1x128xi32, #tpu.memory_space<vmem>> -> memref<128xi32, #tpu.memory_space<vmem>>
          %dma_start3A_137 = arith.constant 0 : i32
          %dma_start3A_138 = arith.constant 0 : i32
          %dma_start3A_139 = tpu.memref_slice %arg2[%dma_start3A_137, %dma_start3A_138] : memref<8192x128xi32, #tpu.memory_space<hbm>> -> memref<8192x128xi32, #tpu.memory_space<hbm>>
          tpu.enqueue_indirect_dma source(%dma_start3A_139 : memref<8192x128xi32, #tpu.memory_space<hbm>>) target(%dma_start3A_133 : memref<128x128xi32, #tpu.memory_space<vmem>>) offsets(%dma_start3A_136 : memref<128xi32, #tpu.memory_space<vmem>>) semaphore(%arg7 : memref<!tpu.dma_semaphore, #tpu.memory_space<semaphore_mem>>)
        } else {
        }
        %mul3A_74 = arith.constant 2 : i32
        %mul3A_75 = arith.muli %scan3A_33, %mul3A_74 : i32
        %add3A_76 = arith.constant 0 : i32
        %add3A_77 = arith.addi %mul3A_75, %add3A_76 : i32
        %dma_wait3A = arith.constant 1 : i32
        %dma_wait3A_78 = arith.constant 0 : i32
        %dma_wait3A_79 = arith.constant 0 : i32
        %dma_wait3A_80 = tpu.memref_slice %arg6[%dma_wait3A, %dma_wait3A_78, %dma_wait3A_79] : memref<2x256x128xi32, #tpu.memory_space<vmem>> -> memref<1x128x128xi32, #tpu.memory_space<vmem>>
        %dma_wait3A_81 = tpu.memref_squeeze %dma_wait3A_80 : memref<1x128x128xi32, #tpu.memory_space<vmem>> -> memref<128x128xi32, #tpu.memory_space<vmem>>
        %dma_wait3A_82 = arith.constant 0 : i32
        %dma_wait3A_83 = tpu.memref_slice %arg5[%add3A_77, %dma_wait3A_82] : memref<32x128xi32, #tpu.memory_space<vmem>> -> memref<1x128xi32, #tpu.memory_space<vmem>>
        %dma_wait3A_84 = tpu.memref_squeeze %dma_wait3A_83 : memref<1x128xi32, #tpu.memory_space<vmem>> -> memref<128xi32, #tpu.memory_space<vmem>>
        %dma_wait3A_85 = arith.constant 0 : i32
        %dma_wait3A_86 = arith.constant 0 : i32
        %dma_wait3A_87 = tpu.memref_slice %arg2[%dma_wait3A_85, %dma_wait3A_86] : memref<8192x128xi32, #tpu.memory_space<hbm>> -> memref<8192x128xi32, #tpu.memory_space<hbm>>
        tpu.wait_indirect_dma semaphore(%arg8 : memref<!tpu.dma_semaphore, #tpu.memory_space<semaphore_mem>>) src(%dma_wait3A_87 : memref<8192x128xi32, #tpu.memory_space<hbm>>) dst(%dma_wait3A_81 : memref<128x128xi32, #tpu.memory_space<vmem>>)
        %mul3A_88 = arith.constant 2 : i32
        %mul3A_89 = arith.muli %scan3A_33, %mul3A_88 : i32
        %add3A_90 = arith.constant 1 : i32
        %add3A_91 = arith.addi %mul3A_89, %add3A_90 : i32
        %dma_wait3A_92 = arith.constant 1 : i32
        %dma_wait3A_93 = arith.constant 128 : i32
        %dma_wait3A_94 = arith.constant 0 : i32
        %dma_wait3A_95 = tpu.memref_slice %arg6[%dma_wait3A_92, %dma_wait3A_93, %dma_wait3A_94] : memref<2x256x128xi32, #tpu.memory_space<vmem>> -> memref<1x128x128xi32, #tpu.memory_space<vmem>>
        %dma_wait3A_96 = tpu.memref_squeeze %dma_wait3A_95 : memref<1x128x128xi32, #tpu.memory_space<vmem>> -> memref<128x128xi32, #tpu.memory_space<vmem>>
        %dma_wait3A_97 = arith.constant 0 : i32
        %dma_wait3A_98 = tpu.memref_slice %arg5[%add3A_91, %dma_wait3A_97] : memref<32x128xi32, #tpu.memory_space<vmem>> -> memref<1x128xi32, #tpu.memory_space<vmem>>
        %dma_wait3A_99 = tpu.memref_squeeze %dma_wait3A_98 : memref<1x128xi32, #tpu.memory_space<vmem>> -> memref<128xi32, #tpu.memory_space<vmem>>
        %dma_wait3A_100 = arith.constant 0 : i32
        %dma_wait3A_101 = arith.constant 0 : i32
        %dma_wait3A_102 = tpu.memref_slice %arg2[%dma_wait3A_100, %dma_wait3A_101] : memref<8192x128xi32, #tpu.memory_space<hbm>> -> memref<8192x128xi32, #tpu.memory_space<hbm>>
        tpu.wait_indirect_dma semaphore(%arg8 : memref<!tpu.dma_semaphore, #tpu.memory_space<semaphore_mem>>) src(%dma_wait3A_102 : memref<8192x128xi32, #tpu.memory_space<hbm>>) dst(%dma_wait3A_96 : memref<128x128xi32, #tpu.memory_space<vmem>>)
        %mul3A_103 = arith.constant 2 : i32
        %mul3A_104 = arith.muli %scan3A_33, %mul3A_103 : i32
        %mul3A_105 = arith.constant 128 : i32
        %mul3A_106 = arith.muli %mul3A_104, %mul3A_105 : i32
        %add3A_107 = arith.addi %mul3A_2, %mul3A_106 : i32
        %run_scoped3A = arith.constant 1 : i32
        "tpu.region"() ({
          %run_scoped3A_108 = tpu.sem_alloc : memref<!tpu.dma_semaphore, #tpu.memory_space<semaphore_mem>>
          %dma_start3A_109 = arith.constant 0 : i32
          %dma_start3A_110 = arith.constant 0 : i32
          %dma_start3A_111 = tpu.memref_slice %arg6[%run_scoped3A, %dma_start3A_109, %dma_start3A_110] : memref<2x256x128xi32, #tpu.memory_space<vmem>> -> memref<1x256x128xi32, #tpu.memory_space<vmem>>
          %dma_start3A_112 = tpu.memref_squeeze %dma_start3A_111 : memref<1x256x128xi32, #tpu.memory_space<vmem>> -> memref<256x128xi32, #tpu.memory_space<vmem>>
          %dma_start3A_113 = arith.constant 0 : i32
          %dma_start3A_114 = tpu.memref_slice %arg4[%add3A_107, %dma_start3A_113] : memref<131072x128xi32, #tpu.memory_space<hbm>> -> memref<256x128xi32, #tpu.memory_space<hbm>>
          %dma_start3A_115 = arith.constant 0 : i32
          %dma_start3A_116 = tpu.memref_slice %arg4[%add3A_107, %dma_start3A_115] : memref<131072x128xi32, #tpu.memory_space<hbm>> -> memref<256x128xi32, #tpu.memory_space<hbm>>
          %dma_start3A_117 = arith.constant 0 : i32
          %dma_start3A_118 = arith.constant 0 : i32
          %dma_start3A_119 = tpu.memref_slice %arg6[%run_scoped3A, %dma_start3A_117, %dma_start3A_118] : memref<2x256x128xi32, #tpu.memory_space<vmem>> -> memref<1x256x128xi32, #tpu.memory_space<vmem>>
          %dma_start3A_120 = tpu.memref_squeeze %dma_start3A_119 : memref<1x256x128xi32, #tpu.memory_space<vmem>> -> memref<256x128xi32, #tpu.memory_space<vmem>>
          tpu.enqueue_dma source(%dma_start3A_120 : memref<256x128xi32, #tpu.memory_space<vmem>>) target(%dma_start3A_116 : memref<256x128xi32, #tpu.memory_space<hbm>>) target_semaphore(%run_scoped3A_108 : memref<!tpu.dma_semaphore, #tpu.memory_space<semaphore_mem>>)
          %dma_wait3A_121 = arith.constant 0 : i32
          %dma_wait3A_122 = arith.constant 0 : i32
          %dma_wait3A_123 = tpu.memref_slice %arg6[%run_scoped3A, %dma_wait3A_121, %dma_wait3A_122] : memref<2x256x128xi32, #tpu.memory_space<vmem>> -> memref<1x256x128xi32, #tpu.memory_space<vmem>>
          %dma_wait3A_124 = tpu.memref_squeeze %dma_wait3A_123 : memref<1x256x128xi32, #tpu.memory_space<vmem>> -> memref<256x128xi32, #tpu.memory_space<vmem>>
          %dma_wait3A_125 = arith.constant 0 : i32
          %dma_wait3A_126 = tpu.memref_slice %arg4[%add3A_107, %dma_wait3A_125] : memref<131072x128xi32, #tpu.memory_space<hbm>> -> memref<256x128xi32, #tpu.memory_space<hbm>>
          %dma_wait3A_127 = arith.constant 0 : i32
          %dma_wait3A_128 = tpu.memref_slice %arg4[%add3A_107, %dma_wait3A_127] : memref<131072x128xi32, #tpu.memory_space<hbm>> -> memref<256x128xi32, #tpu.memory_space<hbm>>
          %dma_wait3A_129 = arith.constant 0 : i32
          %dma_wait3A_130 = arith.constant 0 : i32
          %dma_wait3A_131 = tpu.memref_slice %arg6[%run_scoped3A, %dma_wait3A_129, %dma_wait3A_130] : memref<2x256x128xi32, #tpu.memory_space<vmem>> -> memref<1x256x128xi32, #tpu.memory_space<vmem>>
          %dma_wait3A_132 = tpu.memref_squeeze %dma_wait3A_131 : memref<1x256x128xi32, #tpu.memory_space<vmem>> -> memref<256x128xi32, #tpu.memory_space<vmem>>
          tpu.wait_dma2 semaphore(%run_scoped3A_108 : memref<!tpu.dma_semaphore, #tpu.memory_space<semaphore_mem>>) src(%dma_wait3A_132 : memref<256x128xi32, #tpu.memory_space<vmem>>) dst(%dma_wait3A_128 : memref<256x128xi32, #tpu.memory_space<hbm>>)
          tpu.yield
        }) : () -> ()
      } else {
      }
    }
    %scan3A_32 = arith.constant 16 : i32
    return
  }
}

module attributes {stable_mosaic.version = 14 : i64} {
  func.func @_stats_body(%arg0: i32, %arg1: memref<8192x128xi32, #tpu.memory_space<vmem>>, %arg2: memref<512x128xf32, #tpu.memory_space<vmem>>, %arg3: memref<8192x16xf32, #tpu.memory_space<vmem>>, %arg4: memref<128x256xf32, #tpu.memory_space<vmem>>, %arg5: memref<16x256xf32, #tpu.memory_space<vmem>>, %arg6: memref<1x256xf32, #tpu.memory_space<vmem>>, %arg7: memref<2x256xf32, #tpu.memory_space<vmem>>) attributes {dimension_semantics = [#tpu.dimension_semantics<arbitrary>], iteration_bounds = array<i64: 16>, scalar_prefetch = 0 : i64, scratch_operands = 0 : i64, tpu.core_type = #tpu.core_type<tc>, window_params = [{transform_indices = @transform_0, window_bounds = array<i64: 8192, 128>}, {transform_indices = @transform_1, window_bounds = array<i64: 512, 128>}, {transform_indices = @transform_2, window_bounds = array<i64: 8192, 16>}, {pipeline_mode = #tpu.pipeline_mode<synchronous>, transform_indices = @transform_3, window_bounds = array<i64: 128, 256>}, {pipeline_mode = #tpu.pipeline_mode<synchronous>, transform_indices = @transform_4, window_bounds = array<i64: 16, 256>}, {pipeline_mode = #tpu.pipeline_mode<synchronous>, transform_indices = @transform_5, window_bounds = array<i64: 1, 256>}, {pipeline_mode = #tpu.pipeline_mode<synchronous>, transform_indices = @transform_6, window_bounds = array<i64: 2, 256>}]} {
    %get3A = arith.constant 0 : index
    %get3A_0 = arith.constant 0 : index
    %get3A_1 = vector.load %arg2[%get3A, %get3A_0] : memref<512x128xf32, #tpu.memory_space<vmem>>, vector<512x128xf32>
    %get3A_2 = arith.constant 0 : index
    %get3A_3 = arith.constant 0 : index
    %get3A_4 = vector.load %arg4[%get3A_2, %get3A_3] : memref<128x256xf32, #tpu.memory_space<vmem>>, vector<128x256xf32>
    %dot_general3A = arith.constant dense<0.000000e+00> : vector<512x256xf32>
    %dot_general3A_5 = tpu.matmul %get3A_1, %get3A_4, %dot_general3A {dimension_numbers = #tpu.dot_dimension_numbers<[1], [0], [0], [1], [0, 0, 1, 1], [], []>, transpose_lhs_hint = false} : vector<512x128xf32>, vector<128x256xf32>, vector<512x256xf32> -> vector<512x256xf32>
    %get3A_6 = arith.constant 0 : index
    %get3A_7 = arith.constant 0 : index
    %get3A_8 = vector.load %arg6[%get3A_6, %get3A_7] : memref<1x256xf32, #tpu.memory_space<vmem>>, vector<1x256xf32>
    %add3A = vector.broadcast %get3A_8 : vector<1x256xf32> to vector<512x256xf32>
    %add3A_9 = arith.addf %dot_general3A_5, %add3A : vector<512x256xf32>
    %get3A_10 = arith.constant 0 : index
    %get3A_11 = arith.constant 0 : index
    %get3A_12 = vector.load %arg3[%get3A_10, %get3A_11] : memref<8192x16xf32, #tpu.memory_space<vmem>>, vector<8192x16xf32>
    %get3A_13 = arith.constant 0 : index
    %get3A_14 = arith.constant 0 : index
    %get3A_15 = vector.load %arg5[%get3A_13, %get3A_14] : memref<16x256xf32, #tpu.memory_space<vmem>>, vector<16x256xf32>
    %dot_general3A_16 = arith.constant dense<0.000000e+00> : vector<8192x256xf32>
    %dot_general3A_17 = tpu.matmul %get3A_12, %get3A_15, %dot_general3A_16 {dimension_numbers = #tpu.dot_dimension_numbers<[1], [0], [0], [1], [0, 0, 1, 1], [], []>, transpose_lhs_hint = false} : vector<8192x16xf32>, vector<16x256xf32>, vector<8192x256xf32> -> vector<8192x256xf32>
    %get3A_18 = arith.constant 0 : index
    %get3A_19 = arith.constant 0 : index
    %get3A_20 = vector.load %arg1[%get3A_18, %get3A_19] : memref<8192x128xi32, #tpu.memory_space<vmem>>, vector<8192x128xi32>
    %shift_left3A = arith.constant 16 : i32
    %shift_left3A_21 = vector.broadcast %shift_left3A : i32 to vector<8192x128xi32>
    %shift_left3A_22 = arith.shli %get3A_20, %shift_left3A_21 : vector<8192x128xi32>
    %bitcast_convert_type3A = tpu.bitcast %shift_left3A_22 : vector<8192x128xi32> -> vector<8192x128xf32>
    %reshape3A = vector.shape_cast %bitcast_convert_type3A : vector<8192x128xf32> to vector<512x16x128xf32>
    %and3A = arith.constant -65536 : i32
    %and3A_23 = vector.broadcast %and3A : i32 to vector<8192x128xi32>
    %and3A_24 = arith.andi %get3A_20, %and3A_23 : vector<8192x128xi32>
    %bitcast_convert_type3A_25 = tpu.bitcast %and3A_24 : vector<8192x128xi32> -> vector<8192x128xf32>
    %reshape3A_26 = vector.shape_cast %bitcast_convert_type3A_25 : vector<8192x128xf32> to vector<512x16x128xf32>
    %slice3A = vector.extract_strided_slice %dot_general3A_17 {offsets = [0, 0], sizes = [8192, 128], strides = [1, 1]} : vector<8192x256xf32> to vector<8192x128xf32>
    %reshape3A_27 = vector.shape_cast %slice3A : vector<8192x128xf32> to vector<512x16x128xf32>
    %add3A_28 = arith.addf %reshape3A, %reshape3A_27 : vector<512x16x128xf32>
    %slice3A_29 = vector.extract_strided_slice %add3A_9 {offsets = [0, 0], sizes = [512, 128], strides = [1, 1]} : vector<512x256xf32> to vector<512x128xf32>
    %broadcast_in_dim3A = vector.shape_cast %slice3A_29 : vector<512x128xf32> to vector<512x1x128xf32>
    %add3A_30 = vector.broadcast %broadcast_in_dim3A : vector<512x1x128xf32> to vector<512x16x128xf32>
    %add3A_31 = arith.addf %add3A_28, %add3A_30 : vector<512x16x128xf32>
    %slice3A_32 = vector.extract_strided_slice %dot_general3A_17 {offsets = [0, 128], sizes = [8192, 128], strides = [1, 1]} : vector<8192x256xf32> to vector<8192x128xf32>
    %reshape3A_33 = vector.shape_cast %slice3A_32 : vector<8192x128xf32> to vector<512x16x128xf32>
    %add3A_34 = arith.addf %reshape3A_26, %reshape3A_33 : vector<512x16x128xf32>
    %slice3A_35 = vector.extract_strided_slice %add3A_9 {offsets = [0, 128], sizes = [512, 128], strides = [1, 1]} : vector<512x256xf32> to vector<512x128xf32>
    %broadcast_in_dim3A_36 = vector.shape_cast %slice3A_35 : vector<512x128xf32> to vector<512x1x128xf32>
    %add3A_37 = vector.broadcast %broadcast_in_dim3A_36 : vector<512x1x128xf32> to vector<512x16x128xf32>
    %add3A_38 = arith.addf %add3A_34, %add3A_37 : vector<512x16x128xf32>
    %reshape3A_39 = vector.shape_cast %add3A_31 : vector<512x16x128xf32> to vector<8192x128xf32>
    %reshape3A_40 = vector.shape_cast %add3A_38 : vector<512x16x128xf32> to vector<8192x128xf32>
    %reduce_sum3A = arith.constant dense<0.000000e+00> : vector<128xf32>
    %reduce_sum3A_41 = vector.multi_reduction <add>, %reshape3A_39, %reduce_sum3A [0] : vector<8192x128xf32> to vector<128xf32>
    %reduce_sum3A_42 = arith.constant dense<0.000000e+00> : vector<128xf32>
    %reduce_sum3A_43 = vector.multi_reduction <add>, %reshape3A_40, %reduce_sum3A_42 [0] : vector<8192x128xf32> to vector<128xf32>
    %concatenate3A = tpu.concatenate %reduce_sum3A_41, %reduce_sum3A_43 in 0 : vector<128xf32>, vector<128xf32> -> vector<256xf32>
    %mul3A = arith.mulf %reshape3A_39, %reshape3A_39 : vector<8192x128xf32>
    %reduce_sum3A_44 = arith.constant dense<0.000000e+00> : vector<128xf32>
    %reduce_sum3A_45 = vector.multi_reduction <add>, %mul3A, %reduce_sum3A_44 [0] : vector<8192x128xf32> to vector<128xf32>
    %mul3A_46 = arith.mulf %reshape3A_40, %reshape3A_40 : vector<8192x128xf32>
    %reduce_sum3A_47 = arith.constant dense<0.000000e+00> : vector<128xf32>
    %reduce_sum3A_48 = vector.multi_reduction <add>, %mul3A_46, %reduce_sum3A_47 [0] : vector<8192x128xf32> to vector<128xf32>
    %concatenate3A_49 = tpu.concatenate %reduce_sum3A_45, %reduce_sum3A_48 in 0 : vector<128xf32>, vector<128xf32> -> vector<256xf32>
    %stack3A = vector.shape_cast %concatenate3A : vector<256xf32> to vector<1x256xf32>
    %stack3A_50 = vector.shape_cast %concatenate3A_49 : vector<256xf32> to vector<1x256xf32>
    %stack3A_51 = tpu.concatenate %stack3A, %stack3A_50 in 0 : vector<1x256xf32>, vector<1x256xf32> -> vector<2x256xf32>
    %eq3A = arith.constant 0 : i32
    %eq3A_52 = arith.cmpi eq, %arg0, %eq3A : i32
    %convert_element_type3A = arith.extui %eq3A_52 : i1 to i32
    %cond3A = arith.constant 0 : i32
    %cond3A_53 = arith.cmpi ne, %convert_element_type3A, %cond3A : i32
    scf.if %cond3A_53 {
      %broadcast_in_dim3A_60 = arith.constant 0.000000e+00 : f32
      %broadcast_in_dim3A_61 = vector.broadcast %broadcast_in_dim3A_60 : f32 to vector<2x256xf32>
      %swap3A_62 = arith.constant 0 : index
      %swap3A_63 = arith.constant 0 : index
      %swap3A_64 = vector.load %arg7[%swap3A_62, %swap3A_63] : memref<2x256xf32, #tpu.memory_space<vmem>>, vector<2x256xf32>
      tpu.vector_store %arg7[%swap3A_62, %swap3A_63], %broadcast_in_dim3A_61 {strides = array<i32>} : memref<2x256xf32, #tpu.memory_space<vmem>>, vector<2x256xf32>,
    } else {
    }
    %get3A_54 = arith.constant 0 : index
    %get3A_55 = arith.constant 0 : index
    %get3A_56 = vector.load %arg7[%get3A_54, %get3A_55] : memref<2x256xf32, #tpu.memory_space<vmem>>, vector<2x256xf32>
    %add3A_57 = arith.addf %get3A_56, %stack3A_51 : vector<2x256xf32>
    %swap3A = arith.constant 0 : index
    %swap3A_58 = arith.constant 0 : index
    %swap3A_59 = vector.load %arg7[%swap3A, %swap3A_58] : memref<2x256xf32, #tpu.memory_space<vmem>>, vector<2x256xf32>
    tpu.vector_store %arg7[%swap3A, %swap3A_58], %add3A_57 {strides = array<i32>} : memref<2x256xf32, #tpu.memory_space<vmem>>, vector<2x256xf32>,
    return
  }
  func.func @transform_0(%arg0: i32) -> (i32, i32) {
    %c0_i32 = arith.constant 0 : i32
    %c0_i32_0 = arith.constant 0 : i32
    return %arg0, %c0_i32 : i32, i32
  }
  func.func @transform_1(%arg0: i32) -> (i32, i32) {
    %c0_i32 = arith.constant 0 : i32
    %c0_i32_0 = arith.constant 0 : i32
    return %arg0, %c0_i32 : i32, i32
  }
  func.func @transform_2(%arg0: i32) -> (i32, i32) {
    %c0_i32 = arith.constant 0 : i32
    %c0_i32_0 = arith.constant 0 : i32
    return %arg0, %c0_i32 : i32, i32
  }
  func.func @transform_3(%arg0: i32) -> (i32, i32) {
    %c0_i32 = arith.constant 0 : i32
    %c0_i32_0 = arith.constant 0 : i32
    %c0_i32_1 = arith.constant 0 : i32
    return %c0_i32, %c0_i32_0 : i32, i32
  }
  func.func @transform_4(%arg0: i32) -> (i32, i32) {
    %c0_i32 = arith.constant 0 : i32
    %c0_i32_0 = arith.constant 0 : i32
    %c0_i32_1 = arith.constant 0 : i32
    return %c0_i32, %c0_i32_0 : i32, i32
  }
  func.func @transform_5(%arg0: i32) -> (i32, i32) {
    %c0_i32 = arith.constant 0 : i32
    %c0_i32_0 = arith.constant 0 : i32
    %c0_i32_1 = arith.constant 0 : i32
    return %c0_i32, %c0_i32_0 : i32, i32
  }
  func.func @transform_6(%arg0: i32) -> (i32, i32) {
    %c0_i32 = arith.constant 0 : i32
    %c0_i32_0 = arith.constant 0 : i32
    %c0_i32_1 = arith.constant 0 : i32
    return %c0_i32, %c0_i32_0 : i32, i32
  }
}

module attributes {stable_mosaic.version = 14 : i64} {
  func.func @_proj_body(%arg0: i32, %arg1: memref<1024x128xf32, #tpu.memory_space<vmem>>, %arg2: memref<128x128xf32, #tpu.memory_space<vmem>>, %arg3: memref<128x128xf32, #tpu.memory_space<vmem>>, %arg4: memref<1024x128xi32, #tpu.memory_space<vmem>>) attributes {dimension_semantics = [#tpu.dimension_semantics<arbitrary>], iteration_bounds = array<i64: 8>, scalar_prefetch = 0 : i64, scratch_operands = 0 : i64, tpu.core_type = #tpu.core_type<tc>, window_params = [{transform_indices = @transform_0, window_bounds = array<i64: 1024, 128>}, {pipeline_mode = #tpu.pipeline_mode<synchronous>, transform_indices = @transform_1, window_bounds = array<i64: 128, 128>}, {pipeline_mode = #tpu.pipeline_mode<synchronous>, transform_indices = @transform_2, window_bounds = array<i64: 128, 128>}, {transform_indices = @transform_3, window_bounds = array<i64: 1024, 128>}]} {
    %get3A = arith.constant 0 : index
    %get3A_0 = arith.constant 0 : index
    %get3A_1 = vector.load %arg1[%get3A, %get3A_0] : memref<1024x128xf32, #tpu.memory_space<vmem>>, vector<1024x128xf32>
    %get3A_2 = arith.constant 0 : index
    %get3A_3 = arith.constant 0 : index
    %get3A_4 = vector.load %arg2[%get3A_2, %get3A_3] : memref<128x128xf32, #tpu.memory_space<vmem>>, vector<128x128xf32>
    %dot_general3A = arith.constant dense<0.000000e+00> : vector<1024x128xf32>
    %dot_general3A_5 = tpu.matmul %get3A_1, %get3A_4, %dot_general3A {dimension_numbers = #tpu.dot_dimension_numbers<[1], [0], [0], [1], [0, 0, 1, 1], [], []>, transpose_lhs_hint = false} : vector<1024x128xf32>, vector<128x128xf32>, vector<1024x128xf32> -> vector<1024x128xf32>
    %get3A_6 = arith.constant 0 : index
    %get3A_7 = arith.constant 0 : index
    %get3A_8 = vector.load %arg1[%get3A_6, %get3A_7] : memref<1024x128xf32, #tpu.memory_space<vmem>>, vector<1024x128xf32>
    %get3A_9 = arith.constant 0 : index
    %get3A_10 = arith.constant 0 : index
    %get3A_11 = vector.load %arg3[%get3A_9, %get3A_10] : memref<128x128xf32, #tpu.memory_space<vmem>>, vector<128x128xf32>
    %dot_general3A_12 = arith.constant dense<0.000000e+00> : vector<1024x128xf32>
    %dot_general3A_13 = tpu.matmul %get3A_8, %get3A_11, %dot_general3A_12 {dimension_numbers = #tpu.dot_dimension_numbers<[1], [0], [0], [1], [0, 0, 1, 1], [], []>, transpose_lhs_hint = false} : vector<1024x128xf32>, vector<128x128xf32>, vector<1024x128xf32> -> vector<1024x128xf32>
    %convert_element_type3A = arith.truncf %dot_general3A_5 : vector<1024x128xf32> to vector<1024x128xbf16>
    %bitcast_convert_type3A = tpu.bitcast %convert_element_type3A : vector<1024x128xbf16> -> vector<1024x128xi16>
    %convert_element_type3A_14 = arith.extui %bitcast_convert_type3A : vector<1024x128xi16> to vector<1024x128xi32>
    %convert_element_type3A_15 = arith.truncf %dot_general3A_13 : vector<1024x128xf32> to vector<1024x128xbf16>
    %bitcast_convert_type3A_16 = tpu.bitcast %convert_element_type3A_15 : vector<1024x128xbf16> -> vector<1024x128xi16>
    %convert_element_type3A_17 = arith.extui %bitcast_convert_type3A_16 : vector<1024x128xi16> to vector<1024x128xi32>
    %shift_left3A = arith.constant 16 : i32
    %shift_left3A_18 = vector.broadcast %shift_left3A : i32 to vector<1024x128xi32>
    %shift_left3A_19 = arith.shli %convert_element_type3A_17, %shift_left3A_18 : vector<1024x128xi32>
    %or3A = arith.ori %convert_element_type3A_14, %shift_left3A_19 : vector<1024x128xi32>
    %swap3A = arith.constant 0 : index
    %swap3A_20 = arith.constant 0 : index
    %swap3A_21 = vector.load %arg4[%swap3A, %swap3A_20] : memref<1024x128xi32, #tpu.memory_space<vmem>>, vector<1024x128xi32>
    tpu.vector_store %arg4[%swap3A, %swap3A_20], %or3A {strides = array<i32>} : memref<1024x128xi32, #tpu.memory_space<vmem>>, vector<1024x128xi32>,
    return
  }
  func.func @transform_0(%arg0: i32) -> (i32, i32) {
    %c0_i32 = arith.constant 0 : i32
    %c0_i32_0 = arith.constant 0 : i32
    return %arg0, %c0_i32 : i32, i32
  }
  func.func @transform_1(%arg0: i32) -> (i32, i32) {
    %c0_i32 = arith.constant 0 : i32
    %c0_i32_0 = arith.constant 0 : i32
    %c0_i32_1 = arith.constant 0 : i32
    return %c0_i32, %c0_i32_0 : i32, i32
  }
  func.func @transform_2(%arg0: i32) -> (i32, i32) {
    %c0_i32 = arith.constant 0 : i32
    %c0_i32_0 = arith.constant 0 : i32
    %c0_i32_1 = arith.constant 0 : i32
    return %c0_i32, %c0_i32_0 : i32, i32
  }
  func.func @transform_3(%arg0: i32) -> (i32, i32) {
    %c0_i32 = arith.constant 0 : i32
    %c0_i32_0 = arith.constant 0 : i32
    return %arg0, %c0_i32 : i32, i32
  }
}

module attributes {stable_mosaic.version = 14 : i64} {
  func.func @_final_body(%arg0: i32, %arg1: memref<1024x128xf32, #tpu.memory_space<vmem>>, %arg2: memref<1024x128xf32, #tpu.memory_space<vmem>>, %arg3: memref<2x128xf32, #tpu.memory_space<vmem>>, %arg4: memref<1x128xf32, #tpu.memory_space<vmem>>, %arg5: memref<1x128xf32, #tpu.memory_space<vmem>>, %arg6: memref<1024x128xf32, #tpu.memory_space<vmem>>) attributes {dimension_semantics = [#tpu.dimension_semantics<arbitrary>], iteration_bounds = array<i64: 8>, scalar_prefetch = 0 : i64, scratch_operands = 0 : i64, tpu.core_type = #tpu.core_type<tc>, window_params = [{transform_indices = @transform_0, window_bounds = array<i64: 1024, 128>}, {transform_indices = @transform_1, window_bounds = array<i64: 1024, 128>}, {pipeline_mode = #tpu.pipeline_mode<synchronous>, transform_indices = @transform_2, window_bounds = array<i64: 2, 128>}, {pipeline_mode = #tpu.pipeline_mode<synchronous>, transform_indices = @transform_3, window_bounds = array<i64: 1, 128>}, {pipeline_mode = #tpu.pipeline_mode<synchronous>, transform_indices = @transform_4, window_bounds = array<i64: 1, 128>}, {transform_indices = @transform_5, window_bounds = array<i64: 1024, 128>}]} {
    %get3A = arith.constant 0 : index
    %get3A_0 = arith.constant 0 : index
    %get3A_1 = vector.load %arg3[%get3A, %get3A_0] : memref<2x128xf32, #tpu.memory_space<vmem>>, vector<1x128xf32>
    %get3A_2 = vector.shape_cast %get3A_1 : vector<1x128xf32> to vector<128xf32>
    %mul3A = arith.constant 1.22070313E-4 : f32
    %mul3A_3 = vector.broadcast %mul3A : f32 to vector<128xf32>
    %mul3A_4 = arith.mulf %get3A_2, %mul3A_3 : vector<128xf32>
    %get3A_5 = arith.constant 1 : index
    %get3A_6 = arith.constant 0 : index
    %get3A_7 = vector.load %arg3[%get3A_5, %get3A_6] : memref<2x128xf32, #tpu.memory_space<vmem>>, vector<1x128xf32>
    %get3A_8 = vector.shape_cast %get3A_7 : vector<1x128xf32> to vector<128xf32>
    %mul3A_9 = arith.constant 1.22070313E-4 : f32
    %mul3A_10 = vector.broadcast %mul3A_9 : f32 to vector<128xf32>
    %mul3A_11 = arith.mulf %get3A_8, %mul3A_10 : vector<128xf32>
    %mul3A_12 = arith.mulf %mul3A_4, %mul3A_4 : vector<128xf32>
    %sub3A = arith.subf %mul3A_11, %mul3A_12 : vector<128xf32>
    %get3A_13 = arith.constant 0 : index
    %get3A_14 = arith.constant 0 : index
    %get3A_15 = vector.load %arg4[%get3A_13, %get3A_14] : memref<1x128xf32, #tpu.memory_space<vmem>>, vector<1x128xf32>
    %get3A_16 = vector.shape_cast %get3A_15 : vector<1x128xf32> to vector<128xf32>
    %add3A = arith.constant 9.99999974E-6 : f32
    %add3A_17 = vector.broadcast %add3A : f32 to vector<128xf32>
    %add3A_18 = arith.addf %sub3A, %add3A_17 : vector<128xf32>
    %rsqrt3A = math.rsqrt %add3A_18 : vector<128xf32>
    %mul3A_19 = arith.mulf %get3A_16, %rsqrt3A : vector<128xf32>
    %get3A_20 = arith.constant 0 : index
    %get3A_21 = arith.constant 0 : index
    %get3A_22 = vector.load %arg5[%get3A_20, %get3A_21] : memref<1x128xf32, #tpu.memory_space<vmem>>, vector<1x128xf32>
    %get3A_23 = vector.shape_cast %get3A_22 : vector<1x128xf32> to vector<128xf32>
    %mul3A_24 = arith.mulf %mul3A_4, %mul3A_19 : vector<128xf32>
    %sub3A_25 = arith.subf %get3A_23, %mul3A_24 : vector<128xf32>
    %get3A_26 = arith.constant 0 : index
    %get3A_27 = arith.constant 0 : index
    %get3A_28 = vector.load %arg1[%get3A_26, %get3A_27] : memref<1024x128xf32, #tpu.memory_space<vmem>>, vector<1024x128xf32>
    %get3A_29 = arith.constant 0 : index
    %get3A_30 = arith.constant 0 : index
    %get3A_31 = vector.load %arg2[%get3A_29, %get3A_30] : memref<1024x128xf32, #tpu.memory_space<vmem>>, vector<1024x128xf32>
    %broadcast_in_dim3A = vector.shape_cast %mul3A_19 : vector<128xf32> to vector<1x128xf32>
    %mul3A_32 = vector.broadcast %broadcast_in_dim3A : vector<1x128xf32> to vector<1024x128xf32>
    %mul3A_33 = arith.mulf %get3A_31, %mul3A_32 : vector<1024x128xf32>
    %add3A_34 = arith.addf %get3A_28, %mul3A_33 : vector<1024x128xf32>
    %broadcast_in_dim3A_35 = vector.shape_cast %sub3A_25 : vector<128xf32> to vector<1x128xf32>
    %add3A_36 = vector.broadcast %broadcast_in_dim3A_35 : vector<1x128xf32> to vector<1024x128xf32>
    %add3A_37 = arith.addf %add3A_34, %add3A_36 : vector<1024x128xf32>
    %max3A = arith.constant 0.000000e+00 : f32
    %max3A_38 = vector.broadcast %max3A : f32 to vector<1024x128xf32>
    %max3A_39 = arith.maximumf %add3A_37, %max3A_38 : vector<1024x128xf32>
    %swap3A = arith.constant 0 : index
    %swap3A_40 = arith.constant 0 : index
    %swap3A_41 = vector.load %arg6[%swap3A, %swap3A_40] : memref<1024x128xf32, #tpu.memory_space<vmem>>, vector<1024x128xf32>
    tpu.vector_store %arg6[%swap3A, %swap3A_40], %max3A_39 {strides = array<i32>} : memref<1024x128xf32, #tpu.memory_space<vmem>>, vector<1024x128xf32>,
    return
  }
  func.func @transform_0(%arg0: i32) -> (i32, i32) {
    %c0_i32 = arith.constant 0 : i32
    %c0_i32_0 = arith.constant 0 : i32
    return %arg0, %c0_i32 : i32, i32
  }
  func.func @transform_1(%arg0: i32) -> (i32, i32) {
    %c0_i32 = arith.constant 0 : i32
    %c0_i32_0 = arith.constant 0 : i32
    return %arg0, %c0_i32 : i32, i32
  }
  func.func @transform_2(%arg0: i32) -> (i32, i32) {
    %c0_i32 = arith.constant 0 : i32
    %c0_i32_0 = arith.constant 0 : i32
    %c0_i32_1 = arith.constant 0 : i32
    return %c0_i32, %c0_i32_0 : i32, i32
  }
  func.func @transform_3(%arg0: i32) -> (i32, i32) {
    %c0_i32 = arith.constant 0 : i32
    %c0_i32_0 = arith.constant 0 : i32
    %c0_i32_1 = arith.constant 0 : i32
    return %c0_i32, %c0_i32_0 : i32, i32
  }
  func.func @transform_4(%arg0: i32) -> (i32, i32) {
    %c0_i32 = arith.constant 0 : i32
    %c0_i32_0 = arith.constant 0 : i32
    %c0_i32_1 = arith.constant 0 : i32
    return %c0_i32, %c0_i32_0 : i32, i32
  }
  func.func @transform_5(%arg0: i32) -> (i32, i32) {
    %c0_i32 = arith.constant 0 : i32
    %c0_i32_0 = arith.constant 0 : i32
    return %arg0, %c0_i32 : i32, i32
  }
}

module attributes {stable_mosaic.version = 14 : i64} {
  func.func @_apply_body(%arg0: i32, %arg1: memref<8192x128xi32, #tpu.memory_space<vmem>>, %arg2: memref<512x128xf32, #tpu.memory_space<vmem>>, %arg3: memref<8192x16xf32, #tpu.memory_space<vmem>>, %arg4: memref<128x256xf32, #tpu.memory_space<vmem>>, %arg5: memref<16x256xf32, #tpu.memory_space<vmem>>, %arg6: memref<1x256xf32, #tpu.memory_space<vmem>>, %arg7: memref<2x256xf32, #tpu.memory_space<vmem>>, %arg8: memref<1x256xf32, #tpu.memory_space<vmem>>, %arg9: memref<1x256xf32, #tpu.memory_space<vmem>>, %arg10: memref<512x128xf32, #tpu.memory_space<vmem>>, %arg11: memref<2x128xf32, #tpu.memory_space<vmem>>) attributes {dimension_semantics = [#tpu.dimension_semantics<arbitrary>], iteration_bounds = array<i64: 16>, scalar_prefetch = 0 : i64, scratch_operands = 0 : i64, tpu.core_type = #tpu.core_type<tc>, window_params = [{transform_indices = @transform_0, window_bounds = array<i64: 8192, 128>}, {transform_indices = @transform_1, window_bounds = array<i64: 512, 128>}, {transform_indices = @transform_2, window_bounds = array<i64: 8192, 16>}, {pipeline_mode = #tpu.pipeline_mode<synchronous>, transform_indices = @transform_3, window_bounds = array<i64: 128, 256>}, {pipeline_mode = #tpu.pipeline_mode<synchronous>, transform_indices = @transform_4, window_bounds = array<i64: 16, 256>}, {pipeline_mode = #tpu.pipeline_mode<synchronous>, transform_indices = @transform_5, window_bounds = array<i64: 1, 256>}, {pipeline_mode = #tpu.pipeline_mode<synchronous>, transform_indices = @transform_6, window_bounds = array<i64: 2, 256>}, {pipeline_mode = #tpu.pipeline_mode<synchronous>, transform_indices = @transform_7, window_bounds = array<i64: 1, 256>}, {pipeline_mode = #tpu.pipeline_mode<synchronous>, transform_indices = @transform_8, window_bounds = array<i64: 1, 256>}, {transform_indices = @transform_9, window_bounds = array<i64: 512, 128>}, {pipeline_mode = #tpu.pipeline_mode<synchronous>, transform_indices = @transform_10, window_bounds = array<i64: 2, 128>}]} {
    %get3A = arith.constant 0 : index
    %get3A_0 = arith.constant 0 : index
    %get3A_1 = vector.load %arg2[%get3A, %get3A_0] : memref<512x128xf32, #tpu.memory_space<vmem>>, vector<512x128xf32>
    %get3A_2 = arith.constant 0 : index
    %get3A_3 = arith.constant 0 : index
    %get3A_4 = vector.load %arg4[%get3A_2, %get3A_3] : memref<128x256xf32, #tpu.memory_space<vmem>>, vector<128x256xf32>
    %dot_general3A = arith.constant dense<0.000000e+00> : vector<512x256xf32>
    %dot_general3A_5 = tpu.matmul %get3A_1, %get3A_4, %dot_general3A {dimension_numbers = #tpu.dot_dimension_numbers<[1], [0], [0], [1], [0, 0, 1, 1], [], []>, transpose_lhs_hint = false} : vector<512x128xf32>, vector<128x256xf32>, vector<512x256xf32> -> vector<512x256xf32>
    %get3A_6 = arith.constant 0 : index
    %get3A_7 = arith.constant 0 : index
    %get3A_8 = vector.load %arg6[%get3A_6, %get3A_7] : memref<1x256xf32, #tpu.memory_space<vmem>>, vector<1x256xf32>
    %add3A = vector.broadcast %get3A_8 : vector<1x256xf32> to vector<512x256xf32>
    %add3A_9 = arith.addf %dot_general3A_5, %add3A : vector<512x256xf32>
    %get3A_10 = arith.constant 0 : index
    %get3A_11 = arith.constant 0 : index
    %get3A_12 = vector.load %arg3[%get3A_10, %get3A_11] : memref<8192x16xf32, #tpu.memory_space<vmem>>, vector<8192x16xf32>
    %get3A_13 = arith.constant 0 : index
    %get3A_14 = arith.constant 0 : index
    %get3A_15 = vector.load %arg5[%get3A_13, %get3A_14] : memref<16x256xf32, #tpu.memory_space<vmem>>, vector<16x256xf32>
    %dot_general3A_16 = arith.constant dense<0.000000e+00> : vector<8192x256xf32>
    %dot_general3A_17 = tpu.matmul %get3A_12, %get3A_15, %dot_general3A_16 {dimension_numbers = #tpu.dot_dimension_numbers<[1], [0], [0], [1], [0, 0, 1, 1], [], []>, transpose_lhs_hint = false} : vector<8192x16xf32>, vector<16x256xf32>, vector<8192x256xf32> -> vector<8192x256xf32>
    %get3A_18 = arith.constant 0 : index
    %get3A_19 = arith.constant 0 : index
    %get3A_20 = vector.load %arg1[%get3A_18, %get3A_19] : memref<8192x128xi32, #tpu.memory_space<vmem>>, vector<8192x128xi32>
    %shift_left3A = arith.constant 16 : i32
    %shift_left3A_21 = vector.broadcast %shift_left3A : i32 to vector<8192x128xi32>
    %shift_left3A_22 = arith.shli %get3A_20, %shift_left3A_21 : vector<8192x128xi32>
    %bitcast_convert_type3A = tpu.bitcast %shift_left3A_22 : vector<8192x128xi32> -> vector<8192x128xf32>
    %reshape3A = vector.shape_cast %bitcast_convert_type3A : vector<8192x128xf32> to vector<512x16x128xf32>
    %and3A = arith.constant -65536 : i32
    %and3A_23 = vector.broadcast %and3A : i32 to vector<8192x128xi32>
    %and3A_24 = arith.andi %get3A_20, %and3A_23 : vector<8192x128xi32>
    %bitcast_convert_type3A_25 = tpu.bitcast %and3A_24 : vector<8192x128xi32> -> vector<8192x128xf32>
    %reshape3A_26 = vector.shape_cast %bitcast_convert_type3A_25 : vector<8192x128xf32> to vector<512x16x128xf32>
    %slice3A = vector.extract_strided_slice %dot_general3A_17 {offsets = [0, 0], sizes = [8192, 128], strides = [1, 1]} : vector<8192x256xf32> to vector<8192x128xf32>
    %reshape3A_27 = vector.shape_cast %slice3A : vector<8192x128xf32> to vector<512x16x128xf32>
    %add3A_28 = arith.addf %reshape3A, %reshape3A_27 : vector<512x16x128xf32>
    %slice3A_29 = vector.extract_strided_slice %add3A_9 {offsets = [0, 0], sizes = [512, 128], strides = [1, 1]} : vector<512x256xf32> to vector<512x128xf32>
    %broadcast_in_dim3A = vector.shape_cast %slice3A_29 : vector<512x128xf32> to vector<512x1x128xf32>
    %add3A_30 = vector.broadcast %broadcast_in_dim3A : vector<512x1x128xf32> to vector<512x16x128xf32>
    %add3A_31 = arith.addf %add3A_28, %add3A_30 : vector<512x16x128xf32>
    %slice3A_32 = vector.extract_strided_slice %dot_general3A_17 {offsets = [0, 128], sizes = [8192, 128], strides = [1, 1]} : vector<8192x256xf32> to vector<8192x128xf32>
    %reshape3A_33 = vector.shape_cast %slice3A_32 : vector<8192x128xf32> to vector<512x16x128xf32>
    %add3A_34 = arith.addf %reshape3A_26, %reshape3A_33 : vector<512x16x128xf32>
    %slice3A_35 = vector.extract_strided_slice %add3A_9 {offsets = [0, 128], sizes = [512, 128], strides = [1, 1]} : vector<512x256xf32> to vector<512x128xf32>
    %broadcast_in_dim3A_36 = vector.shape_cast %slice3A_35 : vector<512x128xf32> to vector<512x1x128xf32>
    %add3A_37 = vector.broadcast %broadcast_in_dim3A_36 : vector<512x1x128xf32> to vector<512x16x128xf32>
    %add3A_38 = arith.addf %add3A_34, %add3A_37 : vector<512x16x128xf32>
    %reshape3A_39 = vector.shape_cast %add3A_31 : vector<512x16x128xf32> to vector<8192x128xf32>
    %reshape3A_40 = vector.shape_cast %add3A_38 : vector<512x16x128xf32> to vector<8192x128xf32>
    %get3A_41 = arith.constant 0 : index
    %get3A_42 = arith.constant 0 : index
    %get3A_43 = vector.load %arg7[%get3A_41, %get3A_42] : memref<2x256xf32, #tpu.memory_space<vmem>>, vector<1x256xf32>
    %get3A_44 = vector.shape_cast %get3A_43 : vector<1x256xf32> to vector<256xf32>
    %mul3A = arith.constant 7.62939453E-6 : f32
    %mul3A_45 = vector.broadcast %mul3A : f32 to vector<256xf32>
    %mul3A_46 = arith.mulf %get3A_44, %mul3A_45 : vector<256xf32>
    %get3A_47 = arith.constant 1 : index
    %get3A_48 = arith.constant 0 : index
    %get3A_49 = vector.load %arg7[%get3A_47, %get3A_48] : memref<2x256xf32, #tpu.memory_space<vmem>>, vector<1x256xf32>
    %get3A_50 = vector.shape_cast %get3A_49 : vector<1x256xf32> to vector<256xf32>
    %mul3A_51 = arith.constant 7.62939453E-6 : f32
    %mul3A_52 = vector.broadcast %mul3A_51 : f32 to vector<256xf32>
    %mul3A_53 = arith.mulf %get3A_50, %mul3A_52 : vector<256xf32>
    %mul3A_54 = arith.mulf %mul3A_46, %mul3A_46 : vector<256xf32>
    %sub3A = arith.subf %mul3A_53, %mul3A_54 : vector<256xf32>
    %get3A_55 = arith.constant 0 : index
    %get3A_56 = arith.constant 0 : index
    %get3A_57 = vector.load %arg8[%get3A_55, %get3A_56] : memref<1x256xf32, #tpu.memory_space<vmem>>, vector<1x256xf32>
    %get3A_58 = vector.shape_cast %get3A_57 : vector<1x256xf32> to vector<256xf32>
    %add3A_59 = arith.constant 9.99999974E-6 : f32
    %add3A_60 = vector.broadcast %add3A_59 : f32 to vector<256xf32>
    %add3A_61 = arith.addf %sub3A, %add3A_60 : vector<256xf32>
    %rsqrt3A = math.rsqrt %add3A_61 : vector<256xf32>
    %mul3A_62 = arith.mulf %get3A_58, %rsqrt3A : vector<256xf32>
    %get3A_63 = arith.constant 0 : index
    %get3A_64 = arith.constant 0 : index
    %get3A_65 = vector.load %arg9[%get3A_63, %get3A_64] : memref<1x256xf32, #tpu.memory_space<vmem>>, vector<1x256xf32>
    %get3A_66 = vector.shape_cast %get3A_65 : vector<1x256xf32> to vector<256xf32>
    %mul3A_67 = arith.mulf %mul3A_46, %mul3A_62 : vector<256xf32>
    %sub3A_68 = arith.subf %get3A_66, %mul3A_67 : vector<256xf32>
    %slice3A_69 = vector.extract_strided_slice %mul3A_62 {offsets = [0], sizes = [128], strides = [1]} : vector<256xf32> to vector<128xf32>
    %broadcast_in_dim3A_70 = vector.shape_cast %slice3A_69 : vector<128xf32> to vector<1x128xf32>
    %mul3A_71 = vector.broadcast %broadcast_in_dim3A_70 : vector<1x128xf32> to vector<8192x128xf32>
    %mul3A_72 = arith.mulf %reshape3A_39, %mul3A_71 : vector<8192x128xf32>
    %slice3A_73 = vector.extract_strided_slice %sub3A_68 {offsets = [0], sizes = [128], strides = [1]} : vector<256xf32> to vector<128xf32>
    %broadcast_in_dim3A_74 = vector.shape_cast %slice3A_73 : vector<128xf32> to vector<1x128xf32>
    %add3A_75 = vector.broadcast %broadcast_in_dim3A_74 : vector<1x128xf32> to vector<8192x128xf32>
    %add3A_76 = arith.addf %mul3A_72, %add3A_75 : vector<8192x128xf32>
    %logistic3A = arith.negf %add3A_76 : vector<8192x128xf32>
    %logistic3A_77 = math.exp %logistic3A : vector<8192x128xf32>
    %logistic3A_78 = arith.constant 1.000000e+00 : f32
    %logistic3A_79 = vector.broadcast %logistic3A_78 : f32 to vector<8192x128xf32>
    %logistic3A_80 = arith.addf %logistic3A_79, %logistic3A_77 : vector<8192x128xf32>
    %logistic3A_81 = arith.divf %logistic3A_79, %logistic3A_80 : vector<8192x128xf32>
    %slice3A_82 = vector.extract_strided_slice %mul3A_62 {offsets = [128], sizes = [128], strides = [1]} : vector<256xf32> to vector<128xf32>
    %broadcast_in_dim3A_83 = vector.shape_cast %slice3A_82 : vector<128xf32> to vector<1x128xf32>
    %mul3A_84 = vector.broadcast %broadcast_in_dim3A_83 : vector<1x128xf32> to vector<8192x128xf32>
    %mul3A_85 = arith.mulf %reshape3A_40, %mul3A_84 : vector<8192x128xf32>
    %slice3A_86 = vector.extract_strided_slice %sub3A_68 {offsets = [128], sizes = [128], strides = [1]} : vector<256xf32> to vector<128xf32>
    %broadcast_in_dim3A_87 = vector.shape_cast %slice3A_86 : vector<128xf32> to vector<1x128xf32>
    %add3A_88 = vector.broadcast %broadcast_in_dim3A_87 : vector<1x128xf32> to vector<8192x128xf32>
    %add3A_89 = arith.addf %mul3A_85, %add3A_88 : vector<8192x128xf32>
    %max3A = arith.constant 0.000000e+00 : f32
    %max3A_90 = vector.broadcast %max3A : f32 to vector<8192x128xf32>
    %max3A_91 = arith.maximumf %add3A_89, %max3A_90 : vector<8192x128xf32>
    %mul3A_92 = arith.mulf %logistic3A_81, %max3A_91 : vector<8192x128xf32>
    %reshape3A_93 = vector.shape_cast %mul3A_92 : vector<8192x128xf32> to vector<512x16x128xf32>
    %reduce_sum3A = arith.constant dense<0.000000e+00> : vector<512x128xf32>
    %reduce_sum3A_94 = vector.multi_reduction <add>, %reshape3A_93, %reduce_sum3A [1] : vector<512x16x128xf32> to vector<512x128xf32>
    %swap3A = arith.constant 0 : index
    %swap3A_95 = arith.constant 0 : index
    %swap3A_96 = vector.load %arg10[%swap3A, %swap3A_95] : memref<512x128xf32, #tpu.memory_space<vmem>>, vector<512x128xf32>
    tpu.vector_store %arg10[%swap3A, %swap3A_95], %reduce_sum3A_94 {strides = array<i32>} : memref<512x128xf32, #tpu.memory_space<vmem>>, vector<512x128xf32>,
    %reduce_sum3A_97 = arith.constant dense<0.000000e+00> : vector<128xf32>
    %reduce_sum3A_98 = vector.multi_reduction <add>, %reduce_sum3A_94, %reduce_sum3A_97 [0] : vector<512x128xf32> to vector<128xf32>
    %mul3A_99 = arith.mulf %reduce_sum3A_94, %reduce_sum3A_94 : vector<512x128xf32>
    %reduce_sum3A_100 = arith.constant dense<0.000000e+00> : vector<128xf32>
    %reduce_sum3A_101 = vector.multi_reduction <add>, %mul3A_99, %reduce_sum3A_100 [0] : vector<512x128xf32> to vector<128xf32>
    %stack3A = vector.shape_cast %reduce_sum3A_98 : vector<128xf32> to vector<1x128xf32>
    %stack3A_102 = vector.shape_cast %reduce_sum3A_101 : vector<128xf32> to vector<1x128xf32>
    %stack3A_103 = tpu.concatenate %stack3A, %stack3A_102 in 0 : vector<1x128xf32>, vector<1x128xf32> -> vector<2x128xf32>
    %eq3A = arith.constant 0 : i32
    %eq3A_104 = arith.cmpi eq, %arg0, %eq3A : i32
    %convert_element_type3A = arith.extui %eq3A_104 : i1 to i32
    %cond3A = arith.constant 0 : i32
    %cond3A_105 = arith.cmpi ne, %convert_element_type3A, %cond3A : i32
    scf.if %cond3A_105 {
      %broadcast_in_dim3A_113 = arith.constant 0.000000e+00 : f32
      %broadcast_in_dim3A_114 = vector.broadcast %broadcast_in_dim3A_113 : f32 to vector<2x128xf32>
      %swap3A_115 = arith.constant 0 : index
      %swap3A_116 = arith.constant 0 : index
      %swap3A_117 = vector.load %arg11[%swap3A_115, %swap3A_116] : memref<2x128xf32, #tpu.memory_space<vmem>>, vector<2x128xf32>
      tpu.vector_store %arg11[%swap3A_115, %swap3A_116], %broadcast_in_dim3A_114 {strides = array<i32>} : memref<2x128xf32, #tpu.memory_space<vmem>>, vector<2x128xf32>,
    } else {
    }
    %get3A_106 = arith.constant 0 : index
    %get3A_107 = arith.constant 0 : index
    %get3A_108 = vector.load %arg11[%get3A_106, %get3A_107] : memref<2x128xf32, #tpu.memory_space<vmem>>, vector<2x128xf32>
    %add3A_109 = arith.addf %get3A_108, %stack3A_103 : vector<2x128xf32>
    %swap3A_110 = arith.constant 0 : index
    %swap3A_111 = arith.constant 0 : index
    %swap3A_112 = vector.load %arg11[%swap3A_110, %swap3A_111] : memref<2x128xf32, #tpu.memory_space<vmem>>, vector<2x128xf32>
    tpu.vector_store %arg11[%swap3A_110, %swap3A_111], %add3A_109 {strides = array<i32>} : memref<2x128xf32, #tpu.memory_space<vmem>>, vector<2x128xf32>,
    return
  }
  func.func @transform_0(%arg0: i32) -> (i32, i32) {
    %c0_i32 = arith.constant 0 : i32
    %c0_i32_0 = arith.constant 0 : i32
    return %arg0, %c0_i32 : i32, i32
  }
  func.func @transform_1(%arg0: i32) -> (i32, i32) {
    %c0_i32 = arith.constant 0 : i32
    %c0_i32_0 = arith.constant 0 : i32
    return %arg0, %c0_i32 : i32, i32
  }
  func.func @transform_2(%arg0: i32) -> (i32, i32) {
    %c0_i32 = arith.constant 0 : i32
    %c0_i32_0 = arith.constant 0 : i32
    return %arg0, %c0_i32 : i32, i32
  }
  func.func @transform_3(%arg0: i32) -> (i32, i32) {
    %c0_i32 = arith.constant 0 : i32
    %c0_i32_0 = arith.constant 0 : i32
    %c0_i32_1 = arith.constant 0 : i32
    return %c0_i32, %c0_i32_0 : i32, i32
  }
  func.func @transform_4(%arg0: i32) -> (i32, i32) {
    %c0_i32 = arith.constant 0 : i32
    %c0_i32_0 = arith.constant 0 : i32
    %c0_i32_1 = arith.constant 0 : i32
    return %c0_i32, %c0_i32_0 : i32, i32
  }
  func.func @transform_5(%arg0: i32) -> (i32, i32) {
    %c0_i32 = arith.constant 0 : i32
    %c0_i32_0 = arith.constant 0 : i32
    %c0_i32_1 = arith.constant 0 : i32
    return %c0_i32, %c0_i32_0 : i32, i32
  }
  func.func @transform_6(%arg0: i32) -> (i32, i32) {
    %c0_i32 = arith.constant 0 : i32
    %c0_i32_0 = arith.constant 0 : i32
    %c0_i32_1 = arith.constant 0 : i32
    return %c0_i32, %c0_i32_0 : i32, i32
  }
  func.func @transform_7(%arg0: i32) -> (i32, i32) {
    %c0_i32 = arith.constant 0 : i32
    %c0_i32_0 = arith.constant 0 : i32
    %c0_i32_1 = arith.constant 0 : i32
    return %c0_i32, %c0_i32_0 : i32, i32
  }
  func.func @transform_8(%arg0: i32) -> (i32, i32) {
    %c0_i32 = arith.constant 0 : i32
    %c0_i32_0 = arith.constant 0 : i32
    %c0_i32_1 = arith.constant 0 : i32
    return %c0_i32, %c0_i32_0 : i32, i32
  }
  func.func @transform_9(%arg0: i32) -> (i32, i32) {
    %c0_i32 = arith.constant 0 : i32
    %c0_i32_0 = arith.constant 0 : i32
    return %arg0, %c0_i32 : i32, i32
  }
  func.func @transform_10(%arg0: i32) -> (i32, i32) {
    %c0_i32 = arith.constant 0 : i32
    %c0_i32_0 = arith.constant 0 : i32
    %c0_i32_1 = arith.constant 0 : i32
    return %c0_i32, %c0_i32_0 : i32, i32
  }
}

</mosaic_0001>

<sc_bundles>
// kernel: kernel.7.cloned.1.call-start
scs
__scs_entry_jumppad:
0x0: {  	(pc) =	sbr.rel $0x88, $3  }
0x1: {  	(tag) =	ssettag $0x0;
	lr =	simm.s32 $0x1  }
0x2: {  	[smem:$0x3F98] =	sst lr;
	_ =	strace $0xD0000000  }
0x3: {  	_ = 	snop  }
0x4: {  	_ = 	snop  }
0x5: {  	_ = 	snop  }
0x6: {  	_ = 	snop  }
0x7: {  	_ = 	snop  }
__scs_overlays_trampoline_lowered:
0x8: {  	[smem:$0x3FA7] =	sst s0  }
0x9: {  	[smem:$0x3FA8] =	sst s1  }
0xa: {  	[smem:$0x3FA9] =	sst s2  }
0xb: {  	[smem:$0x3FAA] =	sst s3  }
0xc: {  	[smem:$0x3FAB] =	sst s4  }
0xd: {  	[smem:$0x3FAC] =	sst s5  }
0xe: {  	[smem:$0x3FAD] =	sst s6  }
0xf: {  	[smem:$0x3FAE] =	sst s7  }
0x10: {  	[smem:$0x3FAF] =	sst s8  }
0x11: {  	[smem:$0x3FB0] =	sst s9;
	s0 =	simm.s32 @!p0 $0x0  }
0x12: {  	s1 =	sld [smem:$0x3F96];
	s0 =	simm.s32 @p0 $0x1  }
0x13: {  	[smem:$0x3FB1] =	sst s0;
	s0 =	simm.s32 @!p1 $0x0  }
0x14: {  	s2 =	sld [smem:$0x3F95];
	s0 =	simm.s32 @p1 $0x1  }
0x15: {  	[smem:$0x3FB2] =	sst s0;
	s0 =	simm.s32 @!p2 $0x0  }
0x16: {  	s3 =	sld [smem:$0x3FDB];
	s0 =	simm.s32 @p2 $0x1  }
0x17: {  	s4 =	simm.s32 $0x1BF5;
	[smem:$0x3FB4] =	sst s0  }
0x18: {  	s0 =	sld [smem:$0x3F97];
	_ =	swait.ge [sflag:s4], $0x0  }
0x19: {  	s7 =	sld [smem:$0x3F98]  }
0x1a: {  	s8 =	sadd.s32 $0xFFFFE003, lr  }
0x1b: {  	s9 =	sadd.s32 $0xFFFFFEF7, lr;
	s5 =	simm.s32 $0xFFFFFFFF;
	p2 =	slt.u32 s8, $0xFFFFF086  }
0x1c: {  	p1 =	slt.u32 s9, $0xF7A;
	s5 =	simm.s32 @!p2 $0x0  }
0x1d: {  	s5 =	simm.s32 @p1 $0x1;
	p0 =	seq.s32 s7, s2  }
0x1e: {  	s7 =	smul.u32 @!p0 $0xF7A, s2;
	p2 =	seq.s32 @!p0 s5, $0x0  }
0x1f: {  	s9 =	smul.u32 $0xF7A, s1;
	s8 =	simm.s32 @!p0 $0x1BF5;
	p2 =	por !p2, p0  }
0x20: {  	[sflag:s8] =	ssyncset.s32 @!p0 $0xFFFFF086;
	s6 =	sadd.s32 @!p0 s3, s7;
	s7 =	simm.s32 @!p0 $0x108  }
0x21: {  	s3 =	sadd.s32 s3, s9;
	s6 =	sadd.s32 @!p0 $0x88, s6;
	s7 =	simm.s32 @p2 $0x1082  }
0x22: {  	[simem:s7], [sflag:s8] =	dma.local @!p0 [hbm:s6], $0xF7A  }
0x23: {  	s9 =	sor.u32 $0xD0000000, s2;
	s6 =	simm.s32 $0x108;
	_ =	swait.ge @!p0 [sflag:s8], $0x0  }
0x24: {  	s3 =	sadd.s32 $0x88, s3;
	s6 =	simm.s32 @!p1 $0x1082;
	[sflag:s4] =	ssyncset.s32 $0xFFFFF086  }
0x25: {  	[simem:s6], [sflag:s4] =	dma.local [hbm:s3], $0xF7A  }
0x26: {  	[smem:$0x3F98] =	sst s1;
	(tag) =	ssettag s2;
	_ =	strace s9  }
0x27: {  	s1 =	sld [smem:$0x3FA8]  }
0x28: {  	s2 =	sld [smem:$0x3FA9]  }
0x29: {  	s4 =	sld [smem:$0x3FAB]  }
0x2a: {  	p0 =	seq.s32 s5, $0x0;
	s5 =	sld [smem:$0x3FAC]  }
0x2b: {  	s6 =	sld [smem:$0x3FAD]  }
0x2c: {  	s7 =	sld [smem:$0x3FAE]  }
0x2d: {  	s3 =	simm.s32 $0x108;
	s8 =	sld [smem:$0x3FAF]  }
0x2e: {  	s3 =	simm.s32 @!p0 $0x1082;
	s9 =	sld [smem:$0x3FB0]  }
0x2f: {  	lr =	sadd.s32 s0, s3;
	s0 =	sld [smem:$0x3FA7]  }
0x30: {  	s3 =	sld [smem:$0x3FAA]  }
0x31: {  	[smem:$0x3FB3] =	sst s10  }
0x32: {  	s10 =	sld [smem:$0x3FB1];
	_ =	sdelay $0x3  }
0x33: {  	p0 =	seq.s32 s10, $0x1;
	s10 =	sld [smem:$0x3FB3];
	_ =	sdelay $0x3  }
0x34: {  	[smem:$0x3FB3] =	sst s10  }
0x35: {  	s10 =	sld [smem:$0x3FB2];
	_ =	sdelay $0x3  }
0x36: {  	p1 =	seq.s32 s10, $0x1;
	s10 =	sld [smem:$0x3FB3];
	_ =	sdelay $0x3  }
0x37: {  	[smem:$0x3FB3] =	sst s10  }
0x38: {  	s10 =	sld [smem:$0x3FB4]  }
0x39: {  	_ = 	snop;
	(pc) =	sbr.ind lr, $3  }
0x3a: {  	_ = 	snop  }
0x3b: {  	_ = 	snop  }
0x3c: {  	p2 =	seq.s32 s10, $0x1;
	s10 =	sld [smem:$0x3FB3]  }
0x3d: {  	_ =	shalt  }
0x3e: {  	_ =	shalt  }
0x3f: {  	_ =	shalt  }
0x40: {  	_ =	shalt  }
0x41: {  	_ =	shalt  }
0x42: {  	_ =	shalt  }
0x43: {  	_ =	shalt  }
0x44: {  	_ =	shalt  }
0x45: {  	_ =	shalt  }
0x46: {  	_ =	shalt  }
0x47: {  	_ =	shalt  }
0x48: {  	_ =	shalt  }
0x49: {  	_ =	shalt  }
0x4a: {  	_ =	shalt  }
0x4b: {  	_ =	shalt  }
0x4c: {  	_ =	shalt  }
0x4d: {  	_ =	shalt  }
0x4e: {  	_ =	shalt  }
0x4f: {  	_ =	shalt  }
0x50: {  	_ =	shalt  }
0x51: {  	_ =	shalt  }
0x52: {  	_ =	shalt  }
0x53: {  	_ =	shalt  }
0x54: {  	_ =	shalt  }
0x55: {  	_ =	shalt  }
0x56: {  	_ =	shalt  }
0x57: {  	_ =	shalt  }
0x58: {  	_ =	shalt  }
0x59: {  	_ =	shalt  }
0x5a: {  	_ =	shalt  }
0x5b: {  	_ =	shalt  }
0x5c: {  	_ =	shalt  }
0x5d: {  	_ =	shalt  }
0x5e: {  	_ =	shalt  }
0x5f: {  	_ =	shalt  }
0x60: {  	_ =	shalt  }
0x61: {  	_ =	shalt  }
0x62: {  	_ =	shalt  }
0x63: {  	_ =	shalt  }
0x64: {  	_ =	shalt  }
0x65: {  	_ =	shalt  }
0x66: {  	_ =	shalt  }
0x67: {  	_ =	shalt  }
0x68: {  	_ =	shalt  }
0x69: {  	_ =	shalt  }
0x6a: {  	_ =	shalt  }
0x6b: {  	_ =	shalt  }
0x6c: {  	_ =	shalt  }
0x6d: {  	_ =	shalt  }
0x6e: {  	_ =	shalt  }
0x6f: {  	_ =	shalt  }
0x70: {  	_ =	shalt  }
0x71: {  	_ =	shalt  }
0x72: {  	_ =	shalt  }
0x73: {  	_ =	shalt  }
0x74: {  	_ =	shalt  }
0x75: {  	_ =	shalt  }
0x76: {  	_ =	shalt  }
0x77: {  	_ =	shalt  }
0x78: {  	_ =	shalt  }
0x79: {  	_ =	shalt  }
0x7a: {  	_ =	shalt  }
0x7b: {  	_ =	shalt  }
0x7c: {  	_ =	shalt  }
0x7d: {  	_ =	shalt  }
0x7e: {  	_ =	shalt  }
0x7f: {  	_ =	shalt  }
0x80: {  	_ =	shalt  }
0x81: {  	_ =	shalt  }
0x82: {  	_ =	shalt  }
0x83: {  	_ =	shalt  }
0x84: {  	_ =	shalt  }
0x85: {  	_ =	shalt  }
0x86: {  	_ =	shalt  }
0x87: {  	_ =	shalt  }
.Lfunc_end0:
.L_simem_size_0:
called_computation_lowered:
.L_overlay_start_0:
0x88: {  	s2 =	sld [smem:$0x3FD9]  }
0x89: {  	s3 =	sld [smem:$0x3FFE];
	_ =	sdelay $0x1  }
0x8a: {  	s1 =	srdreg.scid  }
0x8b: {  	s0 =	sand.u32 $0x1, s1  }
0x8c: {  	s17 =	sshll.u32 s0, $0xA;
	s2 =	sadd.s32 s3, s2  }
0x8d: {  	s2 =	sadd.s32 s2, s17  }
0x8e: {  	[smem:$0x3FBF] =	sst s2  }
0x8f: {  	_ = 	snop  }
0x90: {  	s2 =	sld [smem:$0x3FD0];
	(tm) =	ssettm $0x1  }
0x91: {  	s18 =	sld [smem:$0x3FFB];
	_ =	sdelay $0x3  }
0x92: {  	_ =	strace s18  }
0x93: {  	s3 =	sld [smem:$0x3FFC];
	_ =	sdelay $0x3  }
0x94: {  	_ =	strace s3  }
0x95: {  	s3 =	sld [smem:$0x3FFD];
	_ =	sdelay $0x3  }
0x96: {  	_ =	strace s3  }
0x97: {  	_ =	strace $0x8FFFFFFF  }
0x98: {  	s19 =	sld [smem:$0x3FDB];
	_ =	sdelay $0x1  }
0x99: {  	s4 =	simm.s32 $_scs_section_size  }
0x9a: {  	s5 =	simm.s32 $_size__tile_overlayer_lowered;
	s6 =	simm.s32 $_tile_overlayer_lowered  }
0x9b: {  	s22 =	simm.s32 $0x1BFF;
	s21 =	sshll.u32 s6, $0x1;
	s3 =	sadd.s32 s4, s19  }
0x9c: {  	s7 =	simm.s32 $0x0;
	s20 =	sshll.u32 s5, $0x1;
	s5 =	sadd.s32 s21, s3  }
0x9d: {  	[timem:s7], [sflag:s22] =	dma.local [hbm:s5], s20  }
0x9e: {  	_ =	swait.ge [sflag:s22], s20  }
0x9f: {  	s4 =	ssub.s32 $0x0, s20;
	[sflag:s22] =	ssyncset.done $0x0  }
0xa0: {  	[sflag:s22] =	ssyncadd.s32 s4;
	_ =	sdelay $0x1  }
0xa1: {  	s23 =	simm.s32 $0x1B8B  }
0xa2: {  	_ =	swait.ge [sflag:s23], $0x1  }
0xa3: {  	[sflag:s23] =	ssyncset.done $0x0  }
0xa4: {  	s25 =	simm.s32 $0x1B8E;
	s24 =	sld [smem:$0x3FFE];
	[sflag:s23] =	ssyncadd.s32 $0xFFFFFFFF  }
0xa5: {  	s26 =	simm.s32 $execute0_lowered;
	[smem:$0x3FD2] =	sst s25  }
0xa6: {  	s5 =	sshll.u32 s26, $0x1;
	_ =	strace $0x80000046;
	[dreg:$0x1] =	wrdreg $0xFFFFFFFF  }
0xa7: {  	s28 =	simm.s32 $_size_execute0_lowered;
	s3 =	sadd.s32 s3, s5;
	[dreg:$0x0] =	wrdreg $0x0  }
0xa8: {  	s5 =	sshll.u32 s28, $0x1;
	[dreg:$0x2] =	wrdreg s3  }
0xa9: {  	[dreg:$0x3] =	wrdreg s5  }
0xaa: {  	[dreg:$0x4] =	wrdreg $0xC0  }
0xab: {  	_ =	task [dreg:s7], $0x5FFFF  }
0xac: {  	[dreg:$0x1] =	wrdreg $0xFFFFFFFF  }
0xad: {  	[dreg:$0x0] =	wrdreg $0x60  }
0xae: {  	[dreg:$0x2] =	wrdreg s2  }
0xaf: {  	[dreg:$0x3] =	wrdreg s24  }
0xb0: {  	[dreg:$0x4] =	wrdreg $0x9  }
0xb1: {  	_ =	task.clear_ibuf [dreg:s7], $0x5FFFF;
	_ =	strace $0x90000046  }
0xb2: {  	s29 =	simm.s32 $0x9;
	_ =	strace $0x80000048  }
0xb3: {  	_ =	swait.ge [sflag:s29], $0x1  }
0xb4: {  	[sflag:s29] =	ssyncadd.s32 $0xFFFFFFFF  }
0xb5: {  	_ =	strace $0x90000048  }
0xb6: {  	_ =	sfence  }
0xb7: {  	s30 =	sld [smem:$0x0];
	_ =	sdelay $0x2  }
0xb8: {  	s31 =	sshll.u32 s1, $0xD;
	s1 =	sshrl.u32 s1, $0x2  }
0xb9: {  	s3 =	sand.u32 $0x4000, s31;
	s1 =	sadd.s32 s1, s30  }
0xba: {  	s0 =	sor.u32 s3, s0;
	s1 =	sshll.u32 s1, $0x11  }
0xbb: {  	s0 =	sor.u32 s1, s0  }
0xbc: {  	s0 =	sadd.s32 $0x8F2B, s0  }
0xbd: {  	[sflag:s0] =	ssyncadd.remote.s32 $0x1  }
0xbe: {  	_ =	sfence.sel $0xFFFF  }
0xbf: {  	[dreg:$0x0] =	wrdreg $0xFFFFFFFF;
	(pc) =	sbr.abs _section_cstart, $3  }
0xc0: {  	[dreg:$0x1] =	wrdreg $0xFFFFFFFF  }
0xc1: {  	_ =	task.clear_ibuf [dreg:s7], $0x2FFFF;
	_ =	strace $0x9FFFFFFF  }
0xc2: {  	(tm) =	ssettm $0x7FFFFFFF  }
0xc3: {  	_ =	shalt  }
tec
execute0_lowered:
.L_overlay_start_1:
0x0: {  	(tag) =	ssettag $0x1  }
0x1: {  	s2 =	rddreg [dreg:$0x0]  }
0x2: {  	s1 =	srdreg.scid;
	s0 =	stileid.u32  }
0x3: {  	s4 =	rddreg [dreg:$0x1];
	s3 =	simm.s32 $0x0;
	s11 =	simm.s32 $0x5000  }
0x4: {  	s12 =	simm.s32 $0x2;
	s13 =	simm.s32 $0x9000;
	s14 =	simm.s32 $0x0  }
0x5: {  	s6 =	sand.u32 $0x1, s1;
	s5 =	sshll.u32 s0, $0x1;
	s1 =	rddreg [dreg:$0x2]  }
0x6: {  	[smem:$0x7FF] =	sst s3;
	s10 =	sadd.s32 $0x6000, s4;
	s29 =	sshll.u32 s0, $0x11  }
0x7: {  	s5 =	sor.u32 s6, s5;
	s8 =	ssub.s32 $0x2, s6;
	_ =	strace $0x80000047  }
0x8: {  	s30 =	sadd.s32 s29, s10;
	s31 =	sshll.u32 s6, $0x10;
	s7 =	sshll.u32 s5, $0x9  }
0x9: {  	s9 =	sshrl.u32 s8, $0x1;
	s5 =	sshll.u32 s5, $0x10;
	s7 =	sadd.s32 s7, s4  }
0xa: {  	s8 =	ssub.s32 s8, s9;
	s28 =	sadd.s32 s10, s5;
	s9 =	simm.s32 $0x80  }
0xb: {  	s10 =	simm.s32 $0x1000;
	s4 =	sadd.s32 $0x2000, s7;
	s5 =	smax.u32 s8, $0x1  }
0xc: {  	s6 =	sadd.s32 $0xF000, s28;
	s7 =	sadd.s32 s31, s30;
	s8 =	simm.s32 $0x3  }
.LBB2_1:
0xd: {  	[tilespmem:s3], [sflag:$0x3] =	stream.linear.gather [hbm4b:s4+s3], $0x1000, $0x38;
	[tilespmem:$0x11000] =	vst v63  }
0xe: {  	_ =	swait.ge [sflag:s8], $0x1000  }
0xf: {  	[sflag:s8] =	ssyncset.done $0x0  }
0x10: {  	s15 =	sand.u32 $0x1, s3;
	[sflag:s8] =	ssyncadd.s32 $0xFFFFF000  }
0x11: {  	[tilespmem:s10], [sflag:$0x1] =	stream.indirect.gather [hbm4b:s2+s9], $0x80, s3, s9, $0xb8;
	[tilespmem:$0x11000] =	vst v63  }
0x12: {  	p0 =	seq.s32 s15, $0x1  }
0x13: {  	[tilespmem:s11], [sflag:$0x1] =	stream.indirect.gather [hbm4b:s2+s9], $0x80, s9, s9, $0xb8;
	[tilespmem:$0x11000] =	vst v63  }
0x14: {  	s15 =	simm.s32 $0x100;
	s16 =	simm.s32 @p0 $0x80;
	s17 =	simm.s32 @p0 $0x1000  }
0x15: {  	[tilespmem:s17], [sflag:$0x1] =	stream.indirect.gather @p0 [hbm4b:s2+s16], $0x80, s15, s16, $0xb8;
	[tilespmem:$0x11000] =	vst v63  }
0x16: {  	s18 =	simm.s32 @p0 $0x5000;
	s19 =	simm.s32 @p0 $0x2;
	s17 =	simm.s32 $0x180  }
0x17: {  	[tilespmem:s18], [sflag:$0x1] =	stream.indirect.gather @p0 [hbm4b:s2+s16], $0x80, s17, s16, $0xb8;
	[tilespmem:$0x11000] =	vst v63  }
0x18: {  	_ =	swait.ge @p0 [sflag:s19], $0x4000  }
0x19: {  	[sflag:s19] =	ssyncset.done @p0 $0x0  }
0x1a: {  	[sflag:s19] =	ssyncadd.s32 @p0 $0xFFFFC000  }
0x1b: {  	_ =	swait.ge @p0 [sflag:s19], $0x4000  }
0x1c: {  	[sflag:s19] =	ssyncset.done @p0 $0x0  }
0x1d: {  	s16 =	simm.s32 @p0 $0x0;
	s18 =	simm.s32 @p0 $0x9000;
	[sflag:s19] =	ssyncadd.s32 @p0 $0xFFFFC000  }
0x1e: {  	[hbm4b:s7+s16] =	stream.linear.scatter @p0 [tilespmem:s18], [sflag:$0x3], $0x8000, $0x38;
	[tilespmem:$0x11000] =	vst v63  }
0x1f: {  	s16 =	simm.s32 @!p0 $0x80;
	s18 =	simm.s32 @!p0 $0x9000  }
0x20: {  	[tilespmem:s18], [sflag:$0x2] =	stream.indirect.gather @!p0 [hbm4b:s2+s16], $0x80, s15, s16, $0xb8;
	[tilespmem:$0x11000] =	vst v63  }
0x21: {  	s19 =	simm.s32 @!p0 $0x1;
	s15 =	simm.s32 @!p0 $0xD000  }
0x22: {  	[tilespmem:s15], [sflag:$0x2] =	stream.indirect.gather @!p0 [hbm4b:s2+s16], $0x80, s17, s16, $0xb8;
	[tilespmem:$0x11000] =	vst v63  }
0x23: {  	_ =	swait.ge @!p0 [sflag:s19], $0x4000  }
0x24: {  	s30 =	simm.s32 $0x1;
	[sflag:s19] =	ssyncset.done @!p0 $0x0  }
0x25: {  	s31 =	sand.u32 $0x1, s30;
	[sflag:s19] =	ssyncadd.s32 @!p0 $0xFFFFC000  }
0x26: {  	s21 =	simm.s32 @!p0 $0x1000;
	s20 =	simm.s32 @!p0 $0x4;
	_ =	swait.ge @!p0 [sflag:s19], $0x4000  }
0x27: {  	s20 =	simm.s32 @p0 $0x3;
	s18 =	simm.s32 $0x2;
	[sflag:s19] =	ssyncset.done @!p0 $0x0  }
0x28: {  	s15 =	simm.s32 $0x280;
	[sflag:s19] =	ssyncadd.s32 @!p0 $0xFFFFC000;
	s19 =	simm.s32 @!p0 $0x0  }
0x29: {  	[hbm4b:s7+s19] =	stream.linear.scatter @!p0 [tilespmem:s21], [sflag:$0x4], $0x8000, $0x38;
	[tilespmem:$0x11000] =	vst v63  }
0x2a: {  	s17 =	simm.s32 $0x200;
	s16 =	sadd.s32 $0x1000, s7;
	_ =	swait.ge [sflag:s20], $0x8000  }
0x2b: {  	p0 =	seq.s32 s31, $0x1;
	s19 =	simm.s32 $0x380;
	[sflag:s20] =	ssyncset.done $0x0  }
.LBB2_2:
0x2c: {  	s21 =	simm.s32 @p0 $0x80;
	s22 =	simm.s32 @p0 $0x1000;
	[sflag:s20] =	ssyncadd.s32 $0xFFFF8000  }
0x2d: {  	[tilespmem:s22], [sflag:$0x1] =	stream.indirect.gather @p0 [hbm4b:s2+s21], $0x80, s17, s21, $0xb8;
	[tilespmem:$0x11000] =	vst v63  }
0x2e: {  	s20 =	sadd.s32 $0xFFFFFF80, s19;
	s23 =	simm.s32 @p0 $0x2;
	s22 =	simm.s32 @p0 $0x5000  }
0x2f: {  	[tilespmem:s22], [sflag:$0x1] =	stream.indirect.gather @p0 [hbm4b:s2+s21], $0x80, s15, s21, $0xb8;
	[tilespmem:$0x11000] =	vst v63  }
0x30: {  	s21 =	smov.u32 s18;
	s18 =	sadd.s32 $0x1, s18;
	_ =	swait.ge @p0 [sflag:s23], $0x4000  }
0x31: {  	p1 =	sne.s32 s18, $0xF;
	[sflag:s23] =	ssyncset.done @p0 $0x0  }
0x32: {  	[sflag:s23] =	ssyncadd.s32 @p0 $0xFFFFC000  }
0x33: {  	_ =	swait.ge @p0 [sflag:s23], $0x4000  }
0x34: {  	[sflag:s23] =	ssyncset.done @p0 $0x0  }
0x35: {  	s22 =	simm.s32 @p0 $0x0;
	[sflag:s23] =	ssyncadd.s32 @p0 $0xFFFFC000;
	s23 =	simm.s32 @p0 $0x9000  }
0x36: {  	[hbm4b:s16+s22] =	stream.linear.scatter @p0 [tilespmem:s23], [sflag:$0x3], $0x8000, $0x38;
	[tilespmem:$0x11000] =	vst v63  }
0x37: {  	s22 =	simm.s32 @!p0 $0x80;
	s23 =	simm.s32 @!p0 $0x9000  }
0x38: {  	[tilespmem:s23], [sflag:$0x2] =	stream.indirect.gather @!p0 [hbm4b:s2+s22], $0x80, s17, s22, $0xb8;
	[tilespmem:$0x11000] =	vst v63  }
0x39: {  	s24 =	simm.s32 @!p0 $0x1;
	s23 =	simm.s32 @!p0 $0xD000;
	s17 =	smov.u32 s20  }
0x3a: {  	[tilespmem:s23], [sflag:$0x2] =	stream.indirect.gather @!p0 [hbm4b:s2+s22], $0x80, s15, s22, $0xb8;
	[tilespmem:$0x11000] =	vst v63  }
0x3b: {  	s15 =	smov.u32 s19;
	_ =	swait.ge @!p0 [sflag:s24], $0x4000  }
0x3c: {  	[sflag:s24] =	ssyncset.done @!p0 $0x0  }
0x3d: {  	[sflag:s24] =	ssyncadd.s32 @!p0 $0xFFFFC000  }
0x3e: {  	s22 =	simm.s32 @!p0 $0x1000;
	_ =	swait.ge @!p0 [sflag:s24], $0x4000  }
.Ltmp0:
0x3f: {  	s20 =	simm.s32 @!p0 $0x4;
	[sflag:s24] =	ssyncset.done @!p0 $0x0;
	(pc) =	sbr.rel @p1 .LBB2_2-.Ltmp0, $4  }
0x40: {  	s20 =	simm.s32 @p0 $0x3;
	s23 =	simm.s32 @!p0 $0x0;
	[sflag:s24] =	ssyncadd.s32 @!p0 $0xFFFFC000  }
0x41: {  	[hbm4b:s16+s23] =	stream.linear.scatter @!p0 [tilespmem:s22], [sflag:$0x4], $0x8000, $0x38;
	[tilespmem:$0x11000] =	vst v63  }
0x42: {  	s21 =	sand.u32 $0x1, s21;
	s16 =	sadd.s32 $0x1000, s16;
	_ =	swait.ge [sflag:s20], $0x8000  }
0x43: {  	s19 =	sadd.s32 $0x100, s19;
	p0 =	seq.s32 s21, $0x1;
	[sflag:s20] =	ssyncset.done $0x0  }
0x44: {  	s18 =	simm.s32 @p0 $0x80;
	s19 =	simm.s32 @p0 $0x1000;
	[sflag:s20] =	ssyncadd.s32 $0xFFFF8000  }
0x45: {  	[tilespmem:s19], [sflag:$0x1] =	stream.indirect.gather @p0 [hbm4b:s2+s18], $0x80, s17, s18, $0xb8;
	[tilespmem:$0x11000] =	vst v63  }
0x46: {  	s20 =	simm.s32 @p0 $0x2;
	s19 =	simm.s32 @p0 $0x5000  }
0x47: {  	[tilespmem:s19], [sflag:$0x1] =	stream.indirect.gather @p0 [hbm4b:s2+s18], $0x80, s15, s18, $0xb8;
	[tilespmem:$0x11000] =	vst v63  }
0x48: {  	_ =	swait.ge @p0 [sflag:s20], $0x4000  }
0x49: {  	[sflag:s20] =	ssyncset.done @p0 $0x0  }
0x4a: {  	[sflag:s20] =	ssyncadd.s32 @p0 $0xFFFFC000  }
0x4b: {  	_ =	swait.ge @p0 [sflag:s20], $0x4000  }
0x4c: {  	[sflag:s20] =	ssyncset.done @p0 $0x0  }
0x4d: {  	s18 =	simm.s32 @p0 $0x0;
	s19 =	simm.s32 @p0 $0x9000;
	[sflag:s20] =	ssyncadd.s32 @p0 $0xFFFFC000  }
0x4e: {  	[hbm4b:s16+s18] =	stream.linear.scatter @p0 [tilespmem:s19], [sflag:$0x3], $0x8000, $0x38;
	[tilespmem:$0x11000] =	vst v63  }
0x4f: {  	s18 =	simm.s32 @!p0 $0x80;
	s19 =	simm.s32 @!p0 $0x9000  }
0x50: {  	[tilespmem:s19], [sflag:$0x2] =	stream.indirect.gather @!p0 [hbm4b:s2+s18], $0x80, s17, s18, $0xb8;
	[tilespmem:$0x11000] =	vst v63  }
0x51: {  	s17 =	simm.s32 @!p0 $0xD000;
	s19 =	simm.s32 @!p0 $0x1  }
0x52: {  	[tilespmem:s17], [sflag:$0x2] =	stream.indirect.gather @!p0 [hbm4b:s2+s18], $0x80, s15, s18, $0xb8;
	[tilespmem:$0x11000] =	vst v63  }
0x53: {  	_ =	swait.ge @!p0 [sflag:s19], $0x4000  }
0x54: {  	[sflag:s19] =	ssyncset.done @!p0 $0x0  }
0x55: {  	[sflag:s19] =	ssyncadd.s32 @!p0 $0xFFFFC000  }
0x56: {  	_ =	swait.ge @!p0 [sflag:s19], $0x4000  }
0x57: {  	s15 =	simm.s32 @!p0 $0x1000;
	s17 =	simm.s32 @!p0 $0x4;
	[sflag:s19] =	ssyncset.done @!p0 $0x0  }
0x58: {  	s18 =	simm.s32 @!p0 $0x0;
	s17 =	simm.s32 @p0 $0x3;
	[sflag:s19] =	ssyncadd.s32 @!p0 $0xFFFFC000  }
0x59: {  	[hbm4b:s16+s18] =	stream.linear.scatter @!p0 [tilespmem:s15], [sflag:$0x4], $0x8000, $0x38;
	[tilespmem:$0x11000] =	vst v63  }
0x5a: {  	_ =	swait.ge [sflag:s17], $0x8000  }
0x5b: {  	[sflag:s17] =	ssyncset.done $0x0  }
0x5c: {  	[sflag:s17] =	ssyncadd.s32 $0xFFFF8000  }
0x5d: {  	_ =	swait.ge [sflag:s12], $0x4000  }
0x5e: {  	[sflag:s12] =	ssyncset.done $0x0  }
0x5f: {  	[sflag:s12] =	ssyncadd.s32 $0xFFFFC000  }
0x60: {  	s14 =	sadd.s32 $0x1, s14;
	_ =	swait.ge [sflag:s12], $0x4000  }
0x61: {  	p0 =	sne.s32 s14, s5;
	[sflag:s12] =	ssyncset.done $0x0  }
.Ltmp1:
0x62: {  	[sflag:s12] =	ssyncadd.s32 $0xFFFFC000;
	(pc) =	sbr.rel @p0 .LBB2_1-.Ltmp1, $4  }
0x63: {  	[hbm4b:s6+s3] =	stream.linear.scatter [tilespmem:s13], [sflag:$0x3], $0x8000, $0x38;
	[tilespmem:$0x11000] =	vst v63  }
0x64: {  	_ =	swait.ge [sflag:s8], $0x8000  }
0x65: {  	[sflag:s8] =	ssyncset.done $0x0  }
0x66: {  	[sflag:s8] =	ssyncadd.s32 $0xFFFF8000  }
0x67: {  	_ =	sfence.sel $0x180000  }
0x68: {  	[bflag:$0x0] =	sbarrier.arrive $0xFFFF  }
0x69: {  	p0 =	sne.s32 s0, $0x0;
	_ =	strace $0x90000047  }
0x6a: {  	s0 =	sadd.s32 @!p0 $0x100000, s1;
	[bflag:$0x2] =	sbarrier.arrive $0xFFFF  }
0x6b: {  	[sflag:s0] =	ssyncadd.tile.s32 @!p0 $0x1;
	_ =	shalt  }
.Lfunc_end2:
_tile_overlayer_lowered:
.L_overlay_start_2:
0x6c: {  	(tag) =	ssettag $0x2  }
0x6d: {  	s0 =	rddreg [dreg:$0x0];
	s2 =	stileid.u32  }
0x6e: {  	s1 =	rddreg [dreg:$0x1];
	p0 =	sne.s32 s2, $0x0  }
0x6f: {  	s3 =	rddreg [dreg:$0x2];
	[bflag:$0x3] =	sbarrier.arrive $0xFFFF;
	s2 =	simm.s32 @!p0 $0x1C03  }
0x70: {  	[timem:s3], [sflag:s2] =	dma.local @!p0 [hbm:s0], s1  }
0x71: {  	s0 =	simm.s32 @!p0 $0x3  }
0x72: {  	_ =	swait.ge @!p0 [sflag:s0], s1  }
0x73: {  	s1 =	ssub.s32 @!p0 $0x0, s1;
	[sflag:s0] =	ssyncset.done @!p0 $0x0  }
0x74: {  	[sflag:s0] =	ssyncadd.s32 @!p0 s1  }
0x75: {  	[bflag:$0x3] =	sbarrier.arrive $0xFFFF  }
0x76: {  	_ =	shalt  }

</sc_bundles>
